<compile_context>
chip_gen: v7x
topology: tpu7x:2x2x1
jax: 0.10.2.dev20260603
libtpu: 0.0.44.dev20260713+nightly
codegen_flags: <defaults>
</compile_context>

<pallas_src>
import functools

import jax
import jax.numpy as jnp
from jax import lax
from jax.experimental import pallas as pl
from jax.experimental.pallas import tpu as pltpu
from jax.experimental.pallas import tpu_sc as plsc

N_FIELDS = 26
VOCAB = 100000
EMBED_DIM = 32
BATCH = 1024
HIST = 20
LANES = 16
NVEC = BATCH // LANES
NST = 6

_mesh = plsc.VectorSubcoreMesh(core_axis_name="c", subcore_axis_name="s")


@functools.partial(
    pl.kernel,
    out_type=jax.ShapeDtypeStruct((N_FIELDS, HIST, EMBED_DIM, BATCH), jnp.float32),
    mesh=_mesh,
    compiler_params=pltpu.CompilerParams(needs_layout_passes=False),
    scratch_types=(
        [pltpu.VMEM((VOCAB,), jnp.float32),
         pltpu.VMEM((HIST, BATCH), jnp.int32)]
        + [pltpu.VMEM((BATCH,), jnp.float32) for _ in range(NST)]
        + [pltpu.SemaphoreType.DMA, pltpu.SemaphoreType.DMA]
        + [pltpu.SemaphoreType.DMA for _ in range(NST)]
    ),
)
def _lookup_t(idx_hbm, tab_hbm, out_hbm, *scr):
    row_v, idx_v = scr[0], scr[1]
    st_bufs = scr[2:2 + NST]
    sem_row, sem_idx = scr[2 + NST], scr[3 + NST]
    st_sems = scr[4 + NST:]

    w = lax.axis_index("s") * 2 + lax.axis_index("c")

    def drain_store(sb):
        pltpu.make_async_copy(tab_hbm.at[0, 0, pl.ds(0, BATCH)],
                              st_bufs[sb], st_sems[sb]).wait()

    def per_field(f, carry):
        pltpu.async_copy(tab_hbm.at[f, w], row_v, sem_row)
        pltpu.async_copy(idx_hbm.at[f], idx_v, sem_idx)
        pltpu.make_async_copy(idx_hbm.at[0], idx_v, sem_idx).wait()
        pltpu.make_async_copy(tab_hbm.at[0, 0], row_v, sem_row).wait()
        for h in range(HIST):
            sb = h % NST
            if h < NST:
                @pl.when(f > 0)
                def _():
                    drain_store(sb)
            else:
                drain_store(sb)

            st_buf = st_bufs[sb]

            @plsc.parallel_loop(0, NVEC, unroll=8)
            def _body(s):
                sl = pl.ds(s * LANES, LANES)
                st_buf[sl] = plsc.load_gather(row_v, [idx_v[h, sl]])

            pltpu.async_copy(st_buf, out_hbm.at[f, h, w], st_sems[sb])
        return carry

    lax.fori_loop(0, N_FIELDS, per_field, 0)
    for s in range(NST):
        drain_store(s)


def kernel(inputs, tables):
    tab_t = jnp.transpose(tables, (0, 2, 1))
    idx_t = jnp.transpose(inputs, (0, 2, 1))
    out_t = _lookup_t(idx_t, tab_t)
    return jnp.transpose(out_t, (0, 3, 1, 2))

# --- scband reference (transcript-rebuilt; emitter-appended) ---
"""Pipeline reference for scband-multi-label-embedding-context-48859547959806 (READ-ONLY COPY).

The authoritative reference and input builder live on the scoring server;
editing this copy changes nothing except your own understanding.
"""

import jax, jax.numpy as jnp
import numpy as np

N_FIELDS = 26
VOCAB = 100000
EMBED_DIM = 32
BATCH = 1024
HIST = 20


def setup_inputs(seed: int = 0) -> dict:
    key = jax.random.key(seed)
    k_idx, k_tab = jax.random.split(key)
    inputs = jax.random.randint(k_idx, (N_FIELDS, BATCH, HIST), 0, VOCAB, dtype=jnp.int32)
    # One embedding table per embedding context; all contexts share the same
    # (vocab, dim) configuration so they can be stacked into a single [26, V, D] tensor.
    tables = jax.random.normal(k_tab, (N_FIELDS, VOCAB, EMBED_DIM), dtype=jnp.float32) * 0.02
    return {"inputs": inputs, "tables": tables}


def reference(inputs, tables):
    # MultiLabelEmbeddingContext.forward with a 3D tensor input:
    #   for i, ec in enumerate(self.embedding_contexts):
    #       output[ec.name] = ec(inputs[i])
    # Each EmbeddingContext is an embedding lookup: table_i[inputs[i]].
    # The OrderedDict of per-field outputs is represented as a stacked array
    # of shape [n_fields, batch, hist_len, embed_dim].
    def one_field(table, idx):
        return jnp.take(table, idx, axis=0)  # [BATCH, HIST, EMBED_DIM]

    out = jax.vmap(one_field)(tables, inputs)  # [N_FIELDS, BATCH, HIST, EMBED_DIM]
    return out

if __name__ == "__main__":
    import jax
    _d = setup_inputs()
    print(jax.jit(kernel)(*tuple(_d.values())))

</pallas_src>

<mosaic_0001>
#map = affine_map<(d0, d1) -> (0, 0, 0)>
#map1 = affine_map<(d0, d1) -> (0, 0, 0, 0)>
module attributes {stable_mosaic.version = 14 : i64} {
  func.func @_lookup_t(%arg0: i32, %arg1: i32, %arg2: memref<26x20x1024xi32, #tpu.memory_space<hbm>>, %arg3: memref<26x32x100000xf32, #tpu.memory_space<hbm>>, %arg4: memref<26x20x32x1024xf32, #tpu.memory_space<hbm>>, %arg5: memref<100000xf32, #tpu.memory_space<vmem>>, %arg6: memref<20x1024xi32, #tpu.memory_space<vmem>>, %arg7: memref<1024xf32, #tpu.memory_space<vmem>>, %arg8: memref<1024xf32, #tpu.memory_space<vmem>>, %arg9: memref<1024xf32, #tpu.memory_space<vmem>>, %arg10: memref<1024xf32, #tpu.memory_space<vmem>>, %arg11: memref<1024xf32, #tpu.memory_space<vmem>>, %arg12: memref<1024xf32, #tpu.memory_space<vmem>>, %arg13: memref<!tpu.dma_semaphore, #tpu.memory_space<semaphore_mem>>, %arg14: memref<!tpu.dma_semaphore, #tpu.memory_space<semaphore_mem>>, %arg15: memref<!tpu.dma_semaphore, #tpu.memory_space<semaphore_mem>>, %arg16: memref<!tpu.dma_semaphore, #tpu.memory_space<semaphore_mem>>, %arg17: memref<!tpu.dma_semaphore, #tpu.memory_space<semaphore_mem>>, %arg18: memref<!tpu.dma_semaphore, #tpu.memory_space<semaphore_mem>>, %arg19: memref<!tpu.dma_semaphore, #tpu.memory_space<semaphore_mem>>, %arg20: memref<!tpu.dma_semaphore, #tpu.memory_space<semaphore_mem>>) attributes {dimension_semantics = [#tpu.dimension_semantics<core_parallel>, #tpu.dimension_semantics<subcore_parallel>], iteration_bounds = array<i64: 2, 16>, scalar_prefetch = 0 : i64, scratch_operands = 16 : i64, tpu.core_type = #tpu.core_type<sc_vector_subcore>, window_params = [{transform_indices = #map}, {transform_indices = #map}, {transform_indices = #map1}]} {
    %mul3A = arith.constant 2 : i32
    %mul3A_0 = arith.muli %arg1, %mul3A : i32
    %add3A = arith.addi %mul3A_0, %arg0 : i32
    %scan3A = arith.constant 0 : i32
    %scan3A_1 = arith.constant 0 : i32
    %scan3A_2 = arith.constant 26 : i32
    %scan3A_3 = arith.addi %scan3A_1, %scan3A_2 : i32
    %scan3A_4 = arith.constant 1 : i32
    scf.for %scan3A_53 = %scan3A_1 to %scan3A_3 step %scan3A_4  : i32 {
      %dma_start3A = arith.constant 0 : i32
      %dma_start3A_54 = tpu.memref_slice %arg3[%scan3A_53, %add3A, %dma_start3A] : memref<26x32x100000xf32, #tpu.memory_space<hbm>> -> memref<1x1x100000xf32, #tpu.memory_space<hbm>>
      %dma_start3A_55 = tpu.memref_squeeze %dma_start3A_54 : memref<1x1x100000xf32, #tpu.memory_space<hbm>> -> memref<100000xf32, #tpu.memory_space<hbm>>
      %dma_start3A_56 = arith.constant 0 : i32
      %dma_start3A_57 = tpu.memref_slice %arg3[%scan3A_53, %add3A, %dma_start3A_56] : memref<26x32x100000xf32, #tpu.memory_space<hbm>> -> memref<1x1x100000xf32, #tpu.memory_space<hbm>>
      %dma_start3A_58 = tpu.memref_squeeze %dma_start3A_57 : memref<1x1x100000xf32, #tpu.memory_space<hbm>> -> memref<100000xf32, #tpu.memory_space<hbm>>
      tpu.enqueue_dma source(%dma_start3A_58 : memref<100000xf32, #tpu.memory_space<hbm>>) target(%arg5 : memref<100000xf32, #tpu.memory_space<vmem>>) target_semaphore(%arg13 : memref<!tpu.dma_semaphore, #tpu.memory_space<semaphore_mem>>)
      %dma_start3A_59 = arith.constant 0 : i32
      %dma_start3A_60 = arith.constant 0 : i32
      %dma_start3A_61 = tpu.memref_slice %arg2[%scan3A_53, %dma_start3A_59, %dma_start3A_60] : memref<26x20x1024xi32, #tpu.memory_space<hbm>> -> memref<1x20x1024xi32, #tpu.memory_space<hbm>>
      %dma_start3A_62 = tpu.memref_squeeze %dma_start3A_61 : memref<1x20x1024xi32, #tpu.memory_space<hbm>> -> memref<20x1024xi32, #tpu.memory_space<hbm>>
      %dma_start3A_63 = arith.constant 0 : i32
      %dma_start3A_64 = arith.constant 0 : i32
      %dma_start3A_65 = tpu.memref_slice %arg2[%scan3A_53, %dma_start3A_63, %dma_start3A_64] : memref<26x20x1024xi32, #tpu.memory_space<hbm>> -> memref<1x20x1024xi32, #tpu.memory_space<hbm>>
      %dma_start3A_66 = tpu.memref_squeeze %dma_start3A_65 : memref<1x20x1024xi32, #tpu.memory_space<hbm>> -> memref<20x1024xi32, #tpu.memory_space<hbm>>
      tpu.enqueue_dma source(%dma_start3A_66 : memref<20x1024xi32, #tpu.memory_space<hbm>>) target(%arg6 : memref<20x1024xi32, #tpu.memory_space<vmem>>) target_semaphore(%arg14 : memref<!tpu.dma_semaphore, #tpu.memory_space<semaphore_mem>>)
      %dma_wait3A_67 = arith.constant 0 : i32
      %dma_wait3A_68 = arith.constant 0 : i32
      %dma_wait3A_69 = arith.constant 0 : i32
      %dma_wait3A_70 = tpu.memref_slice %arg2[%dma_wait3A_67, %dma_wait3A_68, %dma_wait3A_69] : memref<26x20x1024xi32, #tpu.memory_space<hbm>> -> memref<1x20x1024xi32, #tpu.memory_space<hbm>>
      %dma_wait3A_71 = tpu.memref_squeeze %dma_wait3A_70 : memref<1x20x1024xi32, #tpu.memory_space<hbm>> -> memref<20x1024xi32, #tpu.memory_space<hbm>>
      %dma_wait3A_72 = arith.constant 0 : i32
      %dma_wait3A_73 = arith.constant 0 : i32
      %dma_wait3A_74 = tpu.memref_slice %arg2[%dma_wait3A_67, %dma_wait3A_72, %dma_wait3A_73] : memref<26x20x1024xi32, #tpu.memory_space<hbm>> -> memref<1x20x1024xi32, #tpu.memory_space<hbm>>
      %dma_wait3A_75 = tpu.memref_squeeze %dma_wait3A_74 : memref<1x20x1024xi32, #tpu.memory_space<hbm>> -> memref<20x1024xi32, #tpu.memory_space<hbm>>
      tpu.wait_dma2 semaphore(%arg14 : memref<!tpu.dma_semaphore, #tpu.memory_space<semaphore_mem>>) src(%dma_wait3A_75 : memref<20x1024xi32, #tpu.memory_space<hbm>>) dst(%arg6 : memref<20x1024xi32, #tpu.memory_space<vmem>>)
      %dma_wait3A_76 = arith.constant 0 : i32
      %dma_wait3A_77 = arith.constant 0 : i32
      %dma_wait3A_78 = arith.constant 0 : i32
      %dma_wait3A_79 = tpu.memref_slice %arg3[%dma_wait3A_76, %dma_wait3A_77, %dma_wait3A_78] : memref<26x32x100000xf32, #tpu.memory_space<hbm>> -> memref<1x1x100000xf32, #tpu.memory_space<hbm>>
      %dma_wait3A_80 = tpu.memref_squeeze %dma_wait3A_79 : memref<1x1x100000xf32, #tpu.memory_space<hbm>> -> memref<100000xf32, #tpu.memory_space<hbm>>
      %dma_wait3A_81 = arith.constant 0 : i32
      %dma_wait3A_82 = tpu.memref_slice %arg3[%dma_wait3A_76, %dma_wait3A_77, %dma_wait3A_81] : memref<26x32x100000xf32, #tpu.memory_space<hbm>> -> memref<1x1x100000xf32, #tpu.memory_space<hbm>>
      %dma_wait3A_83 = tpu.memref_squeeze %dma_wait3A_82 : memref<1x1x100000xf32, #tpu.memory_space<hbm>> -> memref<100000xf32, #tpu.memory_space<hbm>>
      tpu.wait_dma2 semaphore(%arg13 : memref<!tpu.dma_semaphore, #tpu.memory_space<semaphore_mem>>) src(%dma_wait3A_83 : memref<100000xf32, #tpu.memory_space<hbm>>) dst(%arg5 : memref<100000xf32, #tpu.memory_space<vmem>>)
      %gt3A = arith.constant 0 : i32
      %gt3A_84 = arith.cmpi sgt, %scan3A_53, %gt3A : i32
      %convert_element_type3A = arith.extui %gt3A_84 : i1 to i32
      %cond3A = arith.constant 0 : i32
      %cond3A_85 = arith.cmpi ne, %convert_element_type3A, %cond3A : i32
      scf.if %cond3A_85 {
        %dma_wait3A_422 = arith.constant 0 : i32
        %dma_wait3A_423 = arith.constant 0 : i32
        %dma_wait3A_424 = arith.constant 0 : i32
        %dma_wait3A_425 = tpu.memref_slice %arg3[%dma_wait3A_422, %dma_wait3A_423, %dma_wait3A_424] : memref<26x32x100000xf32, #tpu.memory_space<hbm>> -> memref<1x1x1024xf32, #tpu.memory_space<hbm>>
        %dma_wait3A_426 = tpu.memref_squeeze %dma_wait3A_425 : memref<1x1x1024xf32, #tpu.memory_space<hbm>> -> memref<1024xf32, #tpu.memory_space<hbm>>
        %dma_wait3A_427 = arith.constant 0 : i32
        %dma_wait3A_428 = tpu.memref_slice %arg3[%dma_wait3A_422, %dma_wait3A_423, %dma_wait3A_427] : memref<26x32x100000xf32, #tpu.memory_space<hbm>> -> memref<1x1x1024xf32, #tpu.memory_space<hbm>>
        %dma_wait3A_429 = tpu.memref_squeeze %dma_wait3A_428 : memref<1x1x1024xf32, #tpu.memory_space<hbm>> -> memref<1024xf32, #tpu.memory_space<hbm>>
        tpu.wait_dma2 semaphore(%arg15 : memref<!tpu.dma_semaphore, #tpu.memory_space<semaphore_mem>>) src(%dma_wait3A_429 : memref<1024xf32, #tpu.memory_space<hbm>>) dst(%arg7 : memref<1024xf32, #tpu.memory_space<vmem>>)
      } else {
      }
      %parallel_loop3A = arith.constant 0 : i32
      %parallel_loop3A_86 = arith.constant 64 : i32
      %parallel_loop3A_87 = arith.constant 1 : i32
      scf.for %parallel_loop3A_422 = %parallel_loop3A to %parallel_loop3A_86 step %parallel_loop3A_87  : i32 {
        %parallel_loop3A_423 = arith.constant 16 : i32
        %parallel_loop3A_424 = arith.muli %parallel_loop3A_422, %parallel_loop3A_423 : i32
        %parallel_loop3A_425 = arith.constant 0 : i32
        %parallel_loop3A_426 = arith.index_cast %parallel_loop3A_425 : i32 to index
        %parallel_loop3A_427 = arith.index_cast %parallel_loop3A_424 : i32 to index
        %parallel_loop3A_428 = tpu.vector_load %arg6[%parallel_loop3A_426, %parallel_loop3A_427] {strides = array<i32>} : memref<20x1024xi32, #tpu.memory_space<vmem>>, vector<16xi32>,
        %parallel_loop3A_429 = tpu.vector_load_idx %arg5[%parallel_loop3A_428] : memref<100000xf32, #tpu.memory_space<vmem>>[vector<16xi32>], vector<16xf32>,
        %parallel_loop3A_430 = arith.index_cast %parallel_loop3A_424 : i32 to index
        %parallel_loop3A_431 = tpu.vector_load %arg7[%parallel_loop3A_430] {strides = array<i32>} : memref<1024xf32, #tpu.memory_space<vmem>>, vector<16xf32>,
        tpu.vector_store %arg7[%parallel_loop3A_430], %parallel_loop3A_429 {strides = array<i32>} : memref<1024xf32, #tpu.memory_space<vmem>>, vector<16xf32>,
      } {sc.loop_unroll_factor = 8 : i64, sc.parallel_access}
      %dma_start3A_88 = arith.constant 0 : i32
      %dma_start3A_89 = arith.constant 0 : i32
      %dma_start3A_90 = tpu.memref_slice %arg4[%scan3A_53, %dma_start3A_88, %add3A, %dma_start3A_89] : memref<26x20x32x1024xf32, #tpu.memory_space<hbm>> -> memref<1x1x1x1024xf32, #tpu.memory_space<hbm>>
      %dma_start3A_91 = tpu.memref_squeeze %dma_start3A_90 : memref<1x1x1x1024xf32, #tpu.memory_space<hbm>> -> memref<1024xf32, #tpu.memory_space<hbm>>
      %dma_start3A_92 = arith.constant 0 : i32
      %dma_start3A_93 = tpu.memref_slice %arg4[%scan3A_53, %dma_start3A_88, %add3A, %dma_start3A_92] : memref<26x20x32x1024xf32, #tpu.memory_space<hbm>> -> memref<1x1x1x1024xf32, #tpu.memory_space<hbm>>
      %dma_start3A_94 = tpu.memref_squeeze %dma_start3A_93 : memref<1x1x1x1024xf32, #tpu.memory_space<hbm>> -> memref<1024xf32, #tpu.memory_space<hbm>>
      tpu.enqueue_dma source(%arg7 : memref<1024xf32, #tpu.memory_space<vmem>>) target(%dma_start3A_94 : memref<1024xf32, #tpu.memory_space<hbm>>) target_semaphore(%arg15 : memref<!tpu.dma_semaphore, #tpu.memory_space<semaphore_mem>>)
      %gt3A_95 = arith.constant 0 : i32
      %gt3A_96 = arith.cmpi sgt, %scan3A_53, %gt3A_95 : i32
      %convert_element_type3A_97 = arith.extui %gt3A_96 : i1 to i32
      %cond3A_98 = arith.constant 0 : i32
      %cond3A_99 = arith.cmpi ne, %convert_element_type3A_97, %cond3A_98 : i32
      scf.if %cond3A_99 {
        %dma_wait3A_422 = arith.constant 0 : i32
        %dma_wait3A_423 = arith.constant 0 : i32
        %dma_wait3A_424 = arith.constant 0 : i32
        %dma_wait3A_425 = tpu.memref_slice %arg3[%dma_wait3A_422, %dma_wait3A_423, %dma_wait3A_424] : memref<26x32x100000xf32, #tpu.memory_space<hbm>> -> memref<1x1x1024xf32, #tpu.memory_space<hbm>>
        %dma_wait3A_426 = tpu.memref_squeeze %dma_wait3A_425 : memref<1x1x1024xf32, #tpu.memory_space<hbm>> -> memref<1024xf32, #tpu.memory_space<hbm>>
        %dma_wait3A_427 = arith.constant 0 : i32
        %dma_wait3A_428 = tpu.memref_slice %arg3[%dma_wait3A_422, %dma_wait3A_423, %dma_wait3A_427] : memref<26x32x100000xf32, #tpu.memory_space<hbm>> -> memref<1x1x1024xf32, #tpu.memory_space<hbm>>
        %dma_wait3A_429 = tpu.memref_squeeze %dma_wait3A_428 : memref<1x1x1024xf32, #tpu.memory_space<hbm>> -> memref<1024xf32, #tpu.memory_space<hbm>>
        tpu.wait_dma2 semaphore(%arg16 : memref<!tpu.dma_semaphore, #tpu.memory_space<semaphore_mem>>) src(%dma_wait3A_429 : memref<1024xf32, #tpu.memory_space<hbm>>) dst(%arg8 : memref<1024xf32, #tpu.memory_space<vmem>>)
      } else {
      }
      %parallel_loop3A_100 = arith.constant 0 : i32
      %parallel_loop3A_101 = arith.constant 64 : i32
      %parallel_loop3A_102 = arith.constant 1 : i32
      scf.for %parallel_loop3A_422 = %parallel_loop3A_100 to %parallel_loop3A_101 step %parallel_loop3A_102  : i32 {
        %parallel_loop3A_423 = arith.constant 16 : i32
        %parallel_loop3A_424 = arith.muli %parallel_loop3A_422, %parallel_loop3A_423 : i32
        %parallel_loop3A_425 = arith.constant 1 : i32
        %parallel_loop3A_426 = arith.index_cast %parallel_loop3A_425 : i32 to index
        %parallel_loop3A_427 = arith.index_cast %parallel_loop3A_424 : i32 to index
        %parallel_loop3A_428 = tpu.vector_load %arg6[%parallel_loop3A_426, %parallel_loop3A_427] {strides = array<i32>} : memref<20x1024xi32, #tpu.memory_space<vmem>>, vector<16xi32>,
        %parallel_loop3A_429 = tpu.vector_load_idx %arg5[%parallel_loop3A_428] : memref<100000xf32, #tpu.memory_space<vmem>>[vector<16xi32>], vector<16xf32>,
        %parallel_loop3A_430 = arith.index_cast %parallel_loop3A_424 : i32 to index
        %parallel_loop3A_431 = tpu.vector_load %arg8[%parallel_loop3A_430] {strides = array<i32>} : memref<1024xf32, #tpu.memory_space<vmem>>, vector<16xf32>,
        tpu.vector_store %arg8[%parallel_loop3A_430], %parallel_loop3A_429 {strides = array<i32>} : memref<1024xf32, #tpu.memory_space<vmem>>, vector<16xf32>,
      } {sc.loop_unroll_factor = 8 : i64, sc.parallel_access}
      %dma_start3A_103 = arith.constant 1 : i32
      %dma_start3A_104 = arith.constant 0 : i32
      %dma_start3A_105 = tpu.memref_slice %arg4[%scan3A_53, %dma_start3A_103, %add3A, %dma_start3A_104] : memref<26x20x32x1024xf32, #tpu.memory_space<hbm>> -> memref<1x1x1x1024xf32, #tpu.memory_space<hbm>>
      %dma_start3A_106 = tpu.memref_squeeze %dma_start3A_105 : memref<1x1x1x1024xf32, #tpu.memory_space<hbm>> -> memref<1024xf32, #tpu.memory_space<hbm>>
      %dma_start3A_107 = arith.constant 0 : i32
      %dma_start3A_108 = tpu.memref_slice %arg4[%scan3A_53, %dma_start3A_103, %add3A, %dma_start3A_107] : memref<26x20x32x1024xf32, #tpu.memory_space<hbm>> -> memref<1x1x1x1024xf32, #tpu.memory_space<hbm>>
      %dma_start3A_109 = tpu.memref_squeeze %dma_start3A_108 : memref<1x1x1x1024xf32, #tpu.memory_space<hbm>> -> memref<1024xf32, #tpu.memory_space<hbm>>
      tpu.enqueue_dma source(%arg8 : memref<1024xf32, #tpu.memory_space<vmem>>) target(%dma_start3A_109 : memref<1024xf32, #tpu.memory_space<hbm>>) target_semaphore(%arg16 : memref<!tpu.dma_semaphore, #tpu.memory_space<semaphore_mem>>)
      %gt3A_110 = arith.constant 0 : i32
      %gt3A_111 = arith.cmpi sgt, %scan3A_53, %gt3A_110 : i32
      %convert_element_type3A_112 = arith.extui %gt3A_111 : i1 to i32
      %cond3A_113 = arith.constant 0 : i32
      %cond3A_114 = arith.cmpi ne, %convert_element_type3A_112, %cond3A_113 : i32
      scf.if %cond3A_114 {
        %dma_wait3A_422 = arith.constant 0 : i32
        %dma_wait3A_423 = arith.constant 0 : i32
        %dma_wait3A_424 = arith.constant 0 : i32
        %dma_wait3A_425 = tpu.memref_slice %arg3[%dma_wait3A_422, %dma_wait3A_423, %dma_wait3A_424] : memref<26x32x100000xf32, #tpu.memory_space<hbm>> -> memref<1x1x1024xf32, #tpu.memory_space<hbm>>
        %dma_wait3A_426 = tpu.memref_squeeze %dma_wait3A_425 : memref<1x1x1024xf32, #tpu.memory_space<hbm>> -> memref<1024xf32, #tpu.memory_space<hbm>>
        %dma_wait3A_427 = arith.constant 0 : i32
        %dma_wait3A_428 = tpu.memref_slice %arg3[%dma_wait3A_422, %dma_wait3A_423, %dma_wait3A_427] : memref<26x32x100000xf32, #tpu.memory_space<hbm>> -> memref<1x1x1024xf32, #tpu.memory_space<hbm>>
        %dma_wait3A_429 = tpu.memref_squeeze %dma_wait3A_428 : memref<1x1x1024xf32, #tpu.memory_space<hbm>> -> memref<1024xf32, #tpu.memory_space<hbm>>
        tpu.wait_dma2 semaphore(%arg17 : memref<!tpu.dma_semaphore, #tpu.memory_space<semaphore_mem>>) src(%dma_wait3A_429 : memref<1024xf32, #tpu.memory_space<hbm>>) dst(%arg9 : memref<1024xf32, #tpu.memory_space<vmem>>)
      } else {
      }
      %parallel_loop3A_115 = arith.constant 0 : i32
      %parallel_loop3A_116 = arith.constant 64 : i32
      %parallel_loop3A_117 = arith.constant 1 : i32
      scf.for %parallel_loop3A_422 = %parallel_loop3A_115 to %parallel_loop3A_116 step %parallel_loop3A_117  : i32 {
        %parallel_loop3A_423 = arith.constant 16 : i32
        %parallel_loop3A_424 = arith.muli %parallel_loop3A_422, %parallel_loop3A_423 : i32
        %parallel_loop3A_425 = arith.constant 2 : i32
        %parallel_loop3A_426 = arith.index_cast %parallel_loop3A_425 : i32 to index
        %parallel_loop3A_427 = arith.index_cast %parallel_loop3A_424 : i32 to index
        %parallel_loop3A_428 = tpu.vector_load %arg6[%parallel_loop3A_426, %parallel_loop3A_427] {strides = array<i32>} : memref<20x1024xi32, #tpu.memory_space<vmem>>, vector<16xi32>,
        %parallel_loop3A_429 = tpu.vector_load_idx %arg5[%parallel_loop3A_428] : memref<100000xf32, #tpu.memory_space<vmem>>[vector<16xi32>], vector<16xf32>,
        %parallel_loop3A_430 = arith.index_cast %parallel_loop3A_424 : i32 to index
        %parallel_loop3A_431 = tpu.vector_load %arg9[%parallel_loop3A_430] {strides = array<i32>} : memref<1024xf32, #tpu.memory_space<vmem>>, vector<16xf32>,
        tpu.vector_store %arg9[%parallel_loop3A_430], %parallel_loop3A_429 {strides = array<i32>} : memref<1024xf32, #tpu.memory_space<vmem>>, vector<16xf32>,
      } {sc.loop_unroll_factor = 8 : i64, sc.parallel_access}
      %dma_start3A_118 = arith.constant 2 : i32
      %dma_start3A_119 = arith.constant 0 : i32
      %dma_start3A_120 = tpu.memref_slice %arg4[%scan3A_53, %dma_start3A_118, %add3A, %dma_start3A_119] : memref<26x20x32x1024xf32, #tpu.memory_space<hbm>> -> memref<1x1x1x1024xf32, #tpu.memory_space<hbm>>
      %dma_start3A_121 = tpu.memref_squeeze %dma_start3A_120 : memref<1x1x1x1024xf32, #tpu.memory_space<hbm>> -> memref<1024xf32, #tpu.memory_space<hbm>>
      %dma_start3A_122 = arith.constant 0 : i32
      %dma_start3A_123 = tpu.memref_slice %arg4[%scan3A_53, %dma_start3A_118, %add3A, %dma_start3A_122] : memref<26x20x32x1024xf32, #tpu.memory_space<hbm>> -> memref<1x1x1x1024xf32, #tpu.memory_space<hbm>>
      %dma_start3A_124 = tpu.memref_squeeze %dma_start3A_123 : memref<1x1x1x1024xf32, #tpu.memory_space<hbm>> -> memref<1024xf32, #tpu.memory_space<hbm>>
      tpu.enqueue_dma source(%arg9 : memref<1024xf32, #tpu.memory_space<vmem>>) target(%dma_start3A_124 : memref<1024xf32, #tpu.memory_space<hbm>>) target_semaphore(%arg17 : memref<!tpu.dma_semaphore, #tpu.memory_space<semaphore_mem>>)
      %gt3A_125 = arith.constant 0 : i32
      %gt3A_126 = arith.cmpi sgt, %scan3A_53, %gt3A_125 : i32
      %convert_element_type3A_127 = arith.extui %gt3A_126 : i1 to i32
      %cond3A_128 = arith.constant 0 : i32
      %cond3A_129 = arith.cmpi ne, %convert_element_type3A_127, %cond3A_128 : i32
      scf.if %cond3A_129 {
        %dma_wait3A_422 = arith.constant 0 : i32
        %dma_wait3A_423 = arith.constant 0 : i32
        %dma_wait3A_424 = arith.constant 0 : i32
        %dma_wait3A_425 = tpu.memref_slice %arg3[%dma_wait3A_422, %dma_wait3A_423, %dma_wait3A_424] : memref<26x32x100000xf32, #tpu.memory_space<hbm>> -> memref<1x1x1024xf32, #tpu.memory_space<hbm>>
        %dma_wait3A_426 = tpu.memref_squeeze %dma_wait3A_425 : memref<1x1x1024xf32, #tpu.memory_space<hbm>> -> memref<1024xf32, #tpu.memory_space<hbm>>
        %dma_wait3A_427 = arith.constant 0 : i32
        %dma_wait3A_428 = tpu.memref_slice %arg3[%dma_wait3A_422, %dma_wait3A_423, %dma_wait3A_427] : memref<26x32x100000xf32, #tpu.memory_space<hbm>> -> memref<1x1x1024xf32, #tpu.memory_space<hbm>>
        %dma_wait3A_429 = tpu.memref_squeeze %dma_wait3A_428 : memref<1x1x1024xf32, #tpu.memory_space<hbm>> -> memref<1024xf32, #tpu.memory_space<hbm>>
        tpu.wait_dma2 semaphore(%arg18 : memref<!tpu.dma_semaphore, #tpu.memory_space<semaphore_mem>>) src(%dma_wait3A_429 : memref<1024xf32, #tpu.memory_space<hbm>>) dst(%arg10 : memref<1024xf32, #tpu.memory_space<vmem>>)
      } else {
      }
      %parallel_loop3A_130 = arith.constant 0 : i32
      %parallel_loop3A_131 = arith.constant 64 : i32
      %parallel_loop3A_132 = arith.constant 1 : i32
      scf.for %parallel_loop3A_422 = %parallel_loop3A_130 to %parallel_loop3A_131 step %parallel_loop3A_132  : i32 {
        %parallel_loop3A_423 = arith.constant 16 : i32
        %parallel_loop3A_424 = arith.muli %parallel_loop3A_422, %parallel_loop3A_423 : i32
        %parallel_loop3A_425 = arith.constant 3 : i32
        %parallel_loop3A_426 = arith.index_cast %parallel_loop3A_425 : i32 to index
        %parallel_loop3A_427 = arith.index_cast %parallel_loop3A_424 : i32 to index
        %parallel_loop3A_428 = tpu.vector_load %arg6[%parallel_loop3A_426, %parallel_loop3A_427] {strides = array<i32>} : memref<20x1024xi32, #tpu.memory_space<vmem>>, vector<16xi32>,
        %parallel_loop3A_429 = tpu.vector_load_idx %arg5[%parallel_loop3A_428] : memref<100000xf32, #tpu.memory_space<vmem>>[vector<16xi32>], vector<16xf32>,
        %parallel_loop3A_430 = arith.index_cast %parallel_loop3A_424 : i32 to index
        %parallel_loop3A_431 = tpu.vector_load %arg10[%parallel_loop3A_430] {strides = array<i32>} : memref<1024xf32, #tpu.memory_space<vmem>>, vector<16xf32>,
        tpu.vector_store %arg10[%parallel_loop3A_430], %parallel_loop3A_429 {strides = array<i32>} : memref<1024xf32, #tpu.memory_space<vmem>>, vector<16xf32>,
      } {sc.loop_unroll_factor = 8 : i64, sc.parallel_access}
      %dma_start3A_133 = arith.constant 3 : i32
      %dma_start3A_134 = arith.constant 0 : i32
      %dma_start3A_135 = tpu.memref_slice %arg4[%scan3A_53, %dma_start3A_133, %add3A, %dma_start3A_134] : memref<26x20x32x1024xf32, #tpu.memory_space<hbm>> -> memref<1x1x1x1024xf32, #tpu.memory_space<hbm>>
      %dma_start3A_136 = tpu.memref_squeeze %dma_start3A_135 : memref<1x1x1x1024xf32, #tpu.memory_space<hbm>> -> memref<1024xf32, #tpu.memory_space<hbm>>
      %dma_start3A_137 = arith.constant 0 : i32
      %dma_start3A_138 = tpu.memref_slice %arg4[%scan3A_53, %dma_start3A_133, %add3A, %dma_start3A_137] : memref<26x20x32x1024xf32, #tpu.memory_space<hbm>> -> memref<1x1x1x1024xf32, #tpu.memory_space<hbm>>
      %dma_start3A_139 = tpu.memref_squeeze %dma_start3A_138 : memref<1x1x1x1024xf32, #tpu.memory_space<hbm>> -> memref<1024xf32, #tpu.memory_space<hbm>>
      tpu.enqueue_dma source(%arg10 : memref<1024xf32, #tpu.memory_space<vmem>>) target(%dma_start3A_139 : memref<1024xf32, #tpu.memory_space<hbm>>) target_semaphore(%arg18 : memref<!tpu.dma_semaphore, #tpu.memory_space<semaphore_mem>>)
      %gt3A_140 = arith.constant 0 : i32
      %gt3A_141 = arith.cmpi sgt, %scan3A_53, %gt3A_140 : i32
      %convert_element_type3A_142 = arith.extui %gt3A_141 : i1 to i32
      %cond3A_143 = arith.constant 0 : i32
      %cond3A_144 = arith.cmpi ne, %convert_element_type3A_142, %cond3A_143 : i32
      scf.if %cond3A_144 {
        %dma_wait3A_422 = arith.constant 0 : i32
        %dma_wait3A_423 = arith.constant 0 : i32
        %dma_wait3A_424 = arith.constant 0 : i32
        %dma_wait3A_425 = tpu.memref_slice %arg3[%dma_wait3A_422, %dma_wait3A_423, %dma_wait3A_424] : memref<26x32x100000xf32, #tpu.memory_space<hbm>> -> memref<1x1x1024xf32, #tpu.memory_space<hbm>>
        %dma_wait3A_426 = tpu.memref_squeeze %dma_wait3A_425 : memref<1x1x1024xf32, #tpu.memory_space<hbm>> -> memref<1024xf32, #tpu.memory_space<hbm>>
        %dma_wait3A_427 = arith.constant 0 : i32
        %dma_wait3A_428 = tpu.memref_slice %arg3[%dma_wait3A_422, %dma_wait3A_423, %dma_wait3A_427] : memref<26x32x100000xf32, #tpu.memory_space<hbm>> -> memref<1x1x1024xf32, #tpu.memory_space<hbm>>
        %dma_wait3A_429 = tpu.memref_squeeze %dma_wait3A_428 : memref<1x1x1024xf32, #tpu.memory_space<hbm>> -> memref<1024xf32, #tpu.memory_space<hbm>>
        tpu.wait_dma2 semaphore(%arg19 : memref<!tpu.dma_semaphore, #tpu.memory_space<semaphore_mem>>) src(%dma_wait3A_429 : memref<1024xf32, #tpu.memory_space<hbm>>) dst(%arg11 : memref<1024xf32, #tpu.memory_space<vmem>>)
      } else {
      }
      %parallel_loop3A_145 = arith.constant 0 : i32
      %parallel_loop3A_146 = arith.constant 64 : i32
      %parallel_loop3A_147 = arith.constant 1 : i32
      scf.for %parallel_loop3A_422 = %parallel_loop3A_145 to %parallel_loop3A_146 step %parallel_loop3A_147  : i32 {
        %parallel_loop3A_423 = arith.constant 16 : i32
        %parallel_loop3A_424 = arith.muli %parallel_loop3A_422, %parallel_loop3A_423 : i32
        %parallel_loop3A_425 = arith.constant 4 : i32
        %parallel_loop3A_426 = arith.index_cast %parallel_loop3A_425 : i32 to index
        %parallel_loop3A_427 = arith.index_cast %parallel_loop3A_424 : i32 to index
        %parallel_loop3A_428 = tpu.vector_load %arg6[%parallel_loop3A_426, %parallel_loop3A_427] {strides = array<i32>} : memref<20x1024xi32, #tpu.memory_space<vmem>>, vector<16xi32>,
        %parallel_loop3A_429 = tpu.vector_load_idx %arg5[%parallel_loop3A_428] : memref<100000xf32, #tpu.memory_space<vmem>>[vector<16xi32>], vector<16xf32>,
        %parallel_loop3A_430 = arith.index_cast %parallel_loop3A_424 : i32 to index
        %parallel_loop3A_431 = tpu.vector_load %arg11[%parallel_loop3A_430] {strides = array<i32>} : memref<1024xf32, #tpu.memory_space<vmem>>, vector<16xf32>,
        tpu.vector_store %arg11[%parallel_loop3A_430], %parallel_loop3A_429 {strides = array<i32>} : memref<1024xf32, #tpu.memory_space<vmem>>, vector<16xf32>,
      } {sc.loop_unroll_factor = 8 : i64, sc.parallel_access}
      %dma_start3A_148 = arith.constant 4 : i32
      %dma_start3A_149 = arith.constant 0 : i32
      %dma_start3A_150 = tpu.memref_slice %arg4[%scan3A_53, %dma_start3A_148, %add3A, %dma_start3A_149] : memref<26x20x32x1024xf32, #tpu.memory_space<hbm>> -> memref<1x1x1x1024xf32, #tpu.memory_space<hbm>>
      %dma_start3A_151 = tpu.memref_squeeze %dma_start3A_150 : memref<1x1x1x1024xf32, #tpu.memory_space<hbm>> -> memref<1024xf32, #tpu.memory_space<hbm>>
      %dma_start3A_152 = arith.constant 0 : i32
      %dma_start3A_153 = tpu.memref_slice %arg4[%scan3A_53, %dma_start3A_148, %add3A, %dma_start3A_152] : memref<26x20x32x1024xf32, #tpu.memory_space<hbm>> -> memref<1x1x1x1024xf32, #tpu.memory_space<hbm>>
      %dma_start3A_154 = tpu.memref_squeeze %dma_start3A_153 : memref<1x1x1x1024xf32, #tpu.memory_space<hbm>> -> memref<1024xf32, #tpu.memory_space<hbm>>
      tpu.enqueue_dma source(%arg11 : memref<1024xf32, #tpu.memory_space<vmem>>) target(%dma_start3A_154 : memref<1024xf32, #tpu.memory_space<hbm>>) target_semaphore(%arg19 : memref<!tpu.dma_semaphore, #tpu.memory_space<semaphore_mem>>)
      %gt3A_155 = arith.constant 0 : i32
      %gt3A_156 = arith.cmpi sgt, %scan3A_53, %gt3A_155 : i32
      %convert_element_type3A_157 = arith.extui %gt3A_156 : i1 to i32
      %cond3A_158 = arith.constant 0 : i32
      %cond3A_159 = arith.cmpi ne, %convert_element_type3A_157, %cond3A_158 : i32
      scf.if %cond3A_159 {
        %dma_wait3A_422 = arith.constant 0 : i32
        %dma_wait3A_423 = arith.constant 0 : i32
        %dma_wait3A_424 = arith.constant 0 : i32
        %dma_wait3A_425 = tpu.memref_slice %arg3[%dma_wait3A_422, %dma_wait3A_423, %dma_wait3A_424] : memref<26x32x100000xf32, #tpu.memory_space<hbm>> -> memref<1x1x1024xf32, #tpu.memory_space<hbm>>
        %dma_wait3A_426 = tpu.memref_squeeze %dma_wait3A_425 : memref<1x1x1024xf32, #tpu.memory_space<hbm>> -> memref<1024xf32, #tpu.memory_space<hbm>>
        %dma_wait3A_427 = arith.constant 0 : i32
        %dma_wait3A_428 = tpu.memref_slice %arg3[%dma_wait3A_422, %dma_wait3A_423, %dma_wait3A_427] : memref<26x32x100000xf32, #tpu.memory_space<hbm>> -> memref<1x1x1024xf32, #tpu.memory_space<hbm>>
        %dma_wait3A_429 = tpu.memref_squeeze %dma_wait3A_428 : memref<1x1x1024xf32, #tpu.memory_space<hbm>> -> memref<1024xf32, #tpu.memory_space<hbm>>
        tpu.wait_dma2 semaphore(%arg20 : memref<!tpu.dma_semaphore, #tpu.memory_space<semaphore_mem>>) src(%dma_wait3A_429 : memref<1024xf32, #tpu.memory_space<hbm>>) dst(%arg12 : memref<1024xf32, #tpu.memory_space<vmem>>)
      } else {
      }
      %parallel_loop3A_160 = arith.constant 0 : i32
      %parallel_loop3A_161 = arith.constant 64 : i32
      %parallel_loop3A_162 = arith.constant 1 : i32
      scf.for %parallel_loop3A_422 = %parallel_loop3A_160 to %parallel_loop3A_161 step %parallel_loop3A_162  : i32 {
        %parallel_loop3A_423 = arith.constant 16 : i32
        %parallel_loop3A_424 = arith.muli %parallel_loop3A_422, %parallel_loop3A_423 : i32
        %parallel_loop3A_425 = arith.constant 5 : i32
        %parallel_loop3A_426 = arith.index_cast %parallel_loop3A_425 : i32 to index
        %parallel_loop3A_427 = arith.index_cast %parallel_loop3A_424 : i32 to index
        %parallel_loop3A_428 = tpu.vector_load %arg6[%parallel_loop3A_426, %parallel_loop3A_427] {strides = array<i32>} : memref<20x1024xi32, #tpu.memory_space<vmem>>, vector<16xi32>,
        %parallel_loop3A_429 = tpu.vector_load_idx %arg5[%parallel_loop3A_428] : memref<100000xf32, #tpu.memory_space<vmem>>[vector<16xi32>], vector<16xf32>,
        %parallel_loop3A_430 = arith.index_cast %parallel_loop3A_424 : i32 to index
        %parallel_loop3A_431 = tpu.vector_load %arg12[%parallel_loop3A_430] {strides = array<i32>} : memref<1024xf32, #tpu.memory_space<vmem>>, vector<16xf32>,
        tpu.vector_store %arg12[%parallel_loop3A_430], %parallel_loop3A_429 {strides = array<i32>} : memref<1024xf32, #tpu.memory_space<vmem>>, vector<16xf32>,
      } {sc.loop_unroll_factor = 8 : i64, sc.parallel_access}
      %dma_start3A_163 = arith.constant 5 : i32
      %dma_start3A_164 = arith.constant 0 : i32
      %dma_start3A_165 = tpu.memref_slice %arg4[%scan3A_53, %dma_start3A_163, %add3A, %dma_start3A_164] : memref<26x20x32x1024xf32, #tpu.memory_space<hbm>> -> memref<1x1x1x1024xf32, #tpu.memory_space<hbm>>
      %dma_start3A_166 = tpu.memref_squeeze %dma_start3A_165 : memref<1x1x1x1024xf32, #tpu.memory_space<hbm>> -> memref<1024xf32, #tpu.memory_space<hbm>>
      %dma_start3A_167 = arith.constant 0 : i32
      %dma_start3A_168 = tpu.memref_slice %arg4[%scan3A_53, %dma_start3A_163, %add3A, %dma_start3A_167] : memref<26x20x32x1024xf32, #tpu.memory_space<hbm>> -> memref<1x1x1x1024xf32, #tpu.memory_space<hbm>>
      %dma_start3A_169 = tpu.memref_squeeze %dma_start3A_168 : memref<1x1x1x1024xf32, #tpu.memory_space<hbm>> -> memref<1024xf32, #tpu.memory_space<hbm>>
      tpu.enqueue_dma source(%arg12 : memref<1024xf32, #tpu.memory_space<vmem>>) target(%dma_start3A_169 : memref<1024xf32, #tpu.memory_space<hbm>>) target_semaphore(%arg20 : memref<!tpu.dma_semaphore, #tpu.memory_space<semaphore_mem>>)
      %dma_wait3A_170 = arith.constant 0 : i32
      %dma_wait3A_171 = arith.constant 0 : i32
      %dma_wait3A_172 = arith.constant 0 : i32
      %dma_wait3A_173 = tpu.memref_slice %arg3[%dma_wait3A_170, %dma_wait3A_171, %dma_wait3A_172] : memref<26x32x100000xf32, #tpu.memory_space<hbm>> -> memref<1x1x1024xf32, #tpu.memory_space<hbm>>
      %dma_wait3A_174 = tpu.memref_squeeze %dma_wait3A_173 : memref<1x1x1024xf32, #tpu.memory_space<hbm>> -> memref<1024xf32, #tpu.memory_space<hbm>>
      %dma_wait3A_175 = arith.constant 0 : i32
      %dma_wait3A_176 = tpu.memref_slice %arg3[%dma_wait3A_170, %dma_wait3A_171, %dma_wait3A_175] : memref<26x32x100000xf32, #tpu.memory_space<hbm>> -> memref<1x1x1024xf32, #tpu.memory_space<hbm>>
      %dma_wait3A_177 = tpu.memref_squeeze %dma_wait3A_176 : memref<1x1x1024xf32, #tpu.memory_space<hbm>> -> memref<1024xf32, #tpu.memory_space<hbm>>
      tpu.wait_dma2 semaphore(%arg15 : memref<!tpu.dma_semaphore, #tpu.memory_space<semaphore_mem>>) src(%dma_wait3A_177 : memref<1024xf32, #tpu.memory_space<hbm>>) dst(%arg7 : memref<1024xf32, #tpu.memory_space<vmem>>)
      %parallel_loop3A_178 = arith.constant 0 : i32
      %parallel_loop3A_179 = arith.constant 64 : i32
      %parallel_loop3A_180 = arith.constant 1 : i32
      scf.for %parallel_loop3A_422 = %parallel_loop3A_178 to %parallel_loop3A_179 step %parallel_loop3A_180  : i32 {
        %parallel_loop3A_423 = arith.constant 16 : i32
        %parallel_loop3A_424 = arith.muli %parallel_loop3A_422, %parallel_loop3A_423 : i32
        %parallel_loop3A_425 = arith.constant 6 : i32
        %parallel_loop3A_426 = arith.index_cast %parallel_loop3A_425 : i32 to index
        %parallel_loop3A_427 = arith.index_cast %parallel_loop3A_424 : i32 to index
        %parallel_loop3A_428 = tpu.vector_load %arg6[%parallel_loop3A_426, %parallel_loop3A_427] {strides = array<i32>} : memref<20x1024xi32, #tpu.memory_space<vmem>>, vector<16xi32>,
        %parallel_loop3A_429 = tpu.vector_load_idx %arg5[%parallel_loop3A_428] : memref<100000xf32, #tpu.memory_space<vmem>>[vector<16xi32>], vector<16xf32>,
        %parallel_loop3A_430 = arith.index_cast %parallel_loop3A_424 : i32 to index
        %parallel_loop3A_431 = tpu.vector_load %arg7[%parallel_loop3A_430] {strides = array<i32>} : memref<1024xf32, #tpu.memory_space<vmem>>, vector<16xf32>,
        tpu.vector_store %arg7[%parallel_loop3A_430], %parallel_loop3A_429 {strides = array<i32>} : memref<1024xf32, #tpu.memory_space<vmem>>, vector<16xf32>,
      } {sc.loop_unroll_factor = 8 : i64, sc.parallel_access}
      %dma_start3A_181 = arith.constant 6 : i32
      %dma_start3A_182 = arith.constant 0 : i32
      %dma_start3A_183 = tpu.memref_slice %arg4[%scan3A_53, %dma_start3A_181, %add3A, %dma_start3A_182] : memref<26x20x32x1024xf32, #tpu.memory_space<hbm>> -> memref<1x1x1x1024xf32, #tpu.memory_space<hbm>>
      %dma_start3A_184 = tpu.memref_squeeze %dma_start3A_183 : memref<1x1x1x1024xf32, #tpu.memory_space<hbm>> -> memref<1024xf32, #tpu.memory_space<hbm>>
      %dma_start3A_185 = arith.constant 0 : i32
      %dma_start3A_186 = tpu.memref_slice %arg4[%scan3A_53, %dma_start3A_181, %add3A, %dma_start3A_185] : memref<26x20x32x1024xf32, #tpu.memory_space<hbm>> -> memref<1x1x1x1024xf32, #tpu.memory_space<hbm>>
      %dma_start3A_187 = tpu.memref_squeeze %dma_start3A_186 : memref<1x1x1x1024xf32, #tpu.memory_space<hbm>> -> memref<1024xf32, #tpu.memory_space<hbm>>
      tpu.enqueue_dma source(%arg7 : memref<1024xf32, #tpu.memory_space<vmem>>) target(%dma_start3A_187 : memref<1024xf32, #tpu.memory_space<hbm>>) target_semaphore(%arg15 : memref<!tpu.dma_semaphore, #tpu.memory_space<semaphore_mem>>)
      %dma_wait3A_188 = arith.constant 0 : i32
      %dma_wait3A_189 = arith.constant 0 : i32
      %dma_wait3A_190 = arith.constant 0 : i32
      %dma_wait3A_191 = tpu.memref_slice %arg3[%dma_wait3A_188, %dma_wait3A_189, %dma_wait3A_190] : memref<26x32x100000xf32, #tpu.memory_space<hbm>> -> memref<1x1x1024xf32, #tpu.memory_space<hbm>>
      %dma_wait3A_192 = tpu.memref_squeeze %dma_wait3A_191 : memref<1x1x1024xf32, #tpu.memory_space<hbm>> -> memref<1024xf32, #tpu.memory_space<hbm>>
      %dma_wait3A_193 = arith.constant 0 : i32
      %dma_wait3A_194 = tpu.memref_slice %arg3[%dma_wait3A_188, %dma_wait3A_189, %dma_wait3A_193] : memref<26x32x100000xf32, #tpu.memory_space<hbm>> -> memref<1x1x1024xf32, #tpu.memory_space<hbm>>
      %dma_wait3A_195 = tpu.memref_squeeze %dma_wait3A_194 : memref<1x1x1024xf32, #tpu.memory_space<hbm>> -> memref<1024xf32, #tpu.memory_space<hbm>>
      tpu.wait_dma2 semaphore(%arg16 : memref<!tpu.dma_semaphore, #tpu.memory_space<semaphore_mem>>) src(%dma_wait3A_195 : memref<1024xf32, #tpu.memory_space<hbm>>) dst(%arg8 : memref<1024xf32, #tpu.memory_space<vmem>>)
      %parallel_loop3A_196 = arith.constant 0 : i32
      %parallel_loop3A_197 = arith.constant 64 : i32
      %parallel_loop3A_198 = arith.constant 1 : i32
      scf.for %parallel_loop3A_422 = %parallel_loop3A_196 to %parallel_loop3A_197 step %parallel_loop3A_198  : i32 {
        %parallel_loop3A_423 = arith.constant 16 : i32
        %parallel_loop3A_424 = arith.muli %parallel_loop3A_422, %parallel_loop3A_423 : i32
        %parallel_loop3A_425 = arith.constant 7 : i32
        %parallel_loop3A_426 = arith.index_cast %parallel_loop3A_425 : i32 to index
        %parallel_loop3A_427 = arith.index_cast %parallel_loop3A_424 : i32 to index
        %parallel_loop3A_428 = tpu.vector_load %arg6[%parallel_loop3A_426, %parallel_loop3A_427] {strides = array<i32>} : memref<20x1024xi32, #tpu.memory_space<vmem>>, vector<16xi32>,
        %parallel_loop3A_429 = tpu.vector_load_idx %arg5[%parallel_loop3A_428] : memref<100000xf32, #tpu.memory_space<vmem>>[vector<16xi32>], vector<16xf32>,
        %parallel_loop3A_430 = arith.index_cast %parallel_loop3A_424 : i32 to index
        %parallel_loop3A_431 = tpu.vector_load %arg8[%parallel_loop3A_430] {strides = array<i32>} : memref<1024xf32, #tpu.memory_space<vmem>>, vector<16xf32>,
        tpu.vector_store %arg8[%parallel_loop3A_430], %parallel_loop3A_429 {strides = array<i32>} : memref<1024xf32, #tpu.memory_space<vmem>>, vector<16xf32>,
      } {sc.loop_unroll_factor = 8 : i64, sc.parallel_access}
      %dma_start3A_199 = arith.constant 7 : i32
      %dma_start3A_200 = arith.constant 0 : i32
      %dma_start3A_201 = tpu.memref_slice %arg4[%scan3A_53, %dma_start3A_199, %add3A, %dma_start3A_200] : memref<26x20x32x1024xf32, #tpu.memory_space<hbm>> -> memref<1x1x1x1024xf32, #tpu.memory_space<hbm>>
      %dma_start3A_202 = tpu.memref_squeeze %dma_start3A_201 : memref<1x1x1x1024xf32, #tpu.memory_space<hbm>> -> memref<1024xf32, #tpu.memory_space<hbm>>
      %dma_start3A_203 = arith.constant 0 : i32
      %dma_start3A_204 = tpu.memref_slice %arg4[%scan3A_53, %dma_start3A_199, %add3A, %dma_start3A_203] : memref<26x20x32x1024xf32, #tpu.memory_space<hbm>> -> memref<1x1x1x1024xf32, #tpu.memory_space<hbm>>
      %dma_start3A_205 = tpu.memref_squeeze %dma_start3A_204 : memref<1x1x1x1024xf32, #tpu.memory_space<hbm>> -> memref<1024xf32, #tpu.memory_space<hbm>>
      tpu.enqueue_dma source(%arg8 : memref<1024xf32, #tpu.memory_space<vmem>>) target(%dma_start3A_205 : memref<1024xf32, #tpu.memory_space<hbm>>) target_semaphore(%arg16 : memref<!tpu.dma_semaphore, #tpu.memory_space<semaphore_mem>>)
      %dma_wait3A_206 = arith.constant 0 : i32
      %dma_wait3A_207 = arith.constant 0 : i32
      %dma_wait3A_208 = arith.constant 0 : i32
      %dma_wait3A_209 = tpu.memref_slice %arg3[%dma_wait3A_206, %dma_wait3A_207, %dma_wait3A_208] : memref<26x32x100000xf32, #tpu.memory_space<hbm>> -> memref<1x1x1024xf32, #tpu.memory_space<hbm>>
      %dma_wait3A_210 = tpu.memref_squeeze %dma_wait3A_209 : memref<1x1x1024xf32, #tpu.memory_space<hbm>> -> memref<1024xf32, #tpu.memory_space<hbm>>
      %dma_wait3A_211 = arith.constant 0 : i32
      %dma_wait3A_212 = tpu.memref_slice %arg3[%dma_wait3A_206, %dma_wait3A_207, %dma_wait3A_211] : memref<26x32x100000xf32, #tpu.memory_space<hbm>> -> memref<1x1x1024xf32, #tpu.memory_space<hbm>>
      %dma_wait3A_213 = tpu.memref_squeeze %dma_wait3A_212 : memref<1x1x1024xf32, #tpu.memory_space<hbm>> -> memref<1024xf32, #tpu.memory_space<hbm>>
      tpu.wait_dma2 semaphore(%arg17 : memref<!tpu.dma_semaphore, #tpu.memory_space<semaphore_mem>>) src(%dma_wait3A_213 : memref<1024xf32, #tpu.memory_space<hbm>>) dst(%arg9 : memref<1024xf32, #tpu.memory_space<vmem>>)
      %parallel_loop3A_214 = arith.constant 0 : i32
      %parallel_loop3A_215 = arith.constant 64 : i32
      %parallel_loop3A_216 = arith.constant 1 : i32
      scf.for %parallel_loop3A_422 = %parallel_loop3A_214 to %parallel_loop3A_215 step %parallel_loop3A_216  : i32 {
        %parallel_loop3A_423 = arith.constant 16 : i32
        %parallel_loop3A_424 = arith.muli %parallel_loop3A_422, %parallel_loop3A_423 : i32
        %parallel_loop3A_425 = arith.constant 8 : i32
        %parallel_loop3A_426 = arith.index_cast %parallel_loop3A_425 : i32 to index
        %parallel_loop3A_427 = arith.index_cast %parallel_loop3A_424 : i32 to index
        %parallel_loop3A_428 = tpu.vector_load %arg6[%parallel_loop3A_426, %parallel_loop3A_427] {strides = array<i32>} : memref<20x1024xi32, #tpu.memory_space<vmem>>, vector<16xi32>,
        %parallel_loop3A_429 = tpu.vector_load_idx %arg5[%parallel_loop3A_428] : memref<100000xf32, #tpu.memory_space<vmem>>[vector<16xi32>], vector<16xf32>,
        %parallel_loop3A_430 = arith.index_cast %parallel_loop3A_424 : i32 to index
        %parallel_loop3A_431 = tpu.vector_load %arg9[%parallel_loop3A_430] {strides = array<i32>} : memref<1024xf32, #tpu.memory_space<vmem>>, vector<16xf32>,
        tpu.vector_store %arg9[%parallel_loop3A_430], %parallel_loop3A_429 {strides = array<i32>} : memref<1024xf32, #tpu.memory_space<vmem>>, vector<16xf32>,
      } {sc.loop_unroll_factor = 8 : i64, sc.parallel_access}
      %dma_start3A_217 = arith.constant 8 : i32
      %dma_start3A_218 = arith.constant 0 : i32
      %dma_start3A_219 = tpu.memref_slice %arg4[%scan3A_53, %dma_start3A_217, %add3A, %dma_start3A_218] : memref<26x20x32x1024xf32, #tpu.memory_space<hbm>> -> memref<1x1x1x1024xf32, #tpu.memory_space<hbm>>
      %dma_start3A_220 = tpu.memref_squeeze %dma_start3A_219 : memref<1x1x1x1024xf32, #tpu.memory_space<hbm>> -> memref<1024xf32, #tpu.memory_space<hbm>>
      %dma_start3A_221 = arith.constant 0 : i32
      %dma_start3A_222 = tpu.memref_slice %arg4[%scan3A_53, %dma_start3A_217, %add3A, %dma_start3A_221] : memref<26x20x32x1024xf32, #tpu.memory_space<hbm>> -> memref<1x1x1x1024xf32, #tpu.memory_space<hbm>>
      %dma_start3A_223 = tpu.memref_squeeze %dma_start3A_222 : memref<1x1x1x1024xf32, #tpu.memory_space<hbm>> -> memref<1024xf32, #tpu.memory_space<hbm>>
      tpu.enqueue_dma source(%arg9 : memref<1024xf32, #tpu.memory_space<vmem>>) target(%dma_start3A_223 : memref<1024xf32, #tpu.memory_space<hbm>>) target_semaphore(%arg17 : memref<!tpu.dma_semaphore, #tpu.memory_space<semaphore_mem>>)
      %dma_wait3A_224 = arith.constant 0 : i32
      %dma_wait3A_225 = arith.constant 0 : i32
      %dma_wait3A_226 = arith.constant 0 : i32
      %dma_wait3A_227 = tpu.memref_slice %arg3[%dma_wait3A_224, %dma_wait3A_225, %dma_wait3A_226] : memref<26x32x100000xf32, #tpu.memory_space<hbm>> -> memref<1x1x1024xf32, #tpu.memory_space<hbm>>
      %dma_wait3A_228 = tpu.memref_squeeze %dma_wait3A_227 : memref<1x1x1024xf32, #tpu.memory_space<hbm>> -> memref<1024xf32, #tpu.memory_space<hbm>>
      %dma_wait3A_229 = arith.constant 0 : i32
      %dma_wait3A_230 = tpu.memref_slice %arg3[%dma_wait3A_224, %dma_wait3A_225, %dma_wait3A_229] : memref<26x32x100000xf32, #tpu.memory_space<hbm>> -> memref<1x1x1024xf32, #tpu.memory_space<hbm>>
      %dma_wait3A_231 = tpu.memref_squeeze %dma_wait3A_230 : memref<1x1x1024xf32, #tpu.memory_space<hbm>> -> memref<1024xf32, #tpu.memory_space<hbm>>
      tpu.wait_dma2 semaphore(%arg18 : memref<!tpu.dma_semaphore, #tpu.memory_space<semaphore_mem>>) src(%dma_wait3A_231 : memref<1024xf32, #tpu.memory_space<hbm>>) dst(%arg10 : memref<1024xf32, #tpu.memory_space<vmem>>)
      %parallel_loop3A_232 = arith.constant 0 : i32
      %parallel_loop3A_233 = arith.constant 64 : i32
      %parallel_loop3A_234 = arith.constant 1 : i32
      scf.for %parallel_loop3A_422 = %parallel_loop3A_232 to %parallel_loop3A_233 step %parallel_loop3A_234  : i32 {
        %parallel_loop3A_423 = arith.constant 16 : i32
        %parallel_loop3A_424 = arith.muli %parallel_loop3A_422, %parallel_loop3A_423 : i32
        %parallel_loop3A_425 = arith.constant 9 : i32
        %parallel_loop3A_426 = arith.index_cast %parallel_loop3A_425 : i32 to index
        %parallel_loop3A_427 = arith.index_cast %parallel_loop3A_424 : i32 to index
        %parallel_loop3A_428 = tpu.vector_load %arg6[%parallel_loop3A_426, %parallel_loop3A_427] {strides = array<i32>} : memref<20x1024xi32, #tpu.memory_space<vmem>>, vector<16xi32>,
        %parallel_loop3A_429 = tpu.vector_load_idx %arg5[%parallel_loop3A_428] : memref<100000xf32, #tpu.memory_space<vmem>>[vector<16xi32>], vector<16xf32>,
        %parallel_loop3A_430 = arith.index_cast %parallel_loop3A_424 : i32 to index
        %parallel_loop3A_431 = tpu.vector_load %arg10[%parallel_loop3A_430] {strides = array<i32>} : memref<1024xf32, #tpu.memory_space<vmem>>, vector<16xf32>,
        tpu.vector_store %arg10[%parallel_loop3A_430], %parallel_loop3A_429 {strides = array<i32>} : memref<1024xf32, #tpu.memory_space<vmem>>, vector<16xf32>,
      } {sc.loop_unroll_factor = 8 : i64, sc.parallel_access}
      %dma_start3A_235 = arith.constant 9 : i32
      %dma_start3A_236 = arith.constant 0 : i32
      %dma_start3A_237 = tpu.memref_slice %arg4[%scan3A_53, %dma_start3A_235, %add3A, %dma_start3A_236] : memref<26x20x32x1024xf32, #tpu.memory_space<hbm>> -> memref<1x1x1x1024xf32, #tpu.memory_space<hbm>>
      %dma_start3A_238 = tpu.memref_squeeze %dma_start3A_237 : memref<1x1x1x1024xf32, #tpu.memory_space<hbm>> -> memref<1024xf32, #tpu.memory_space<hbm>>
      %dma_start3A_239 = arith.constant 0 : i32
      %dma_start3A_240 = tpu.memref_slice %arg4[%scan3A_53, %dma_start3A_235, %add3A, %dma_start3A_239] : memref<26x20x32x1024xf32, #tpu.memory_space<hbm>> -> memref<1x1x1x1024xf32, #tpu.memory_space<hbm>>
      %dma_start3A_241 = tpu.memref_squeeze %dma_start3A_240 : memref<1x1x1x1024xf32, #tpu.memory_space<hbm>> -> memref<1024xf32, #tpu.memory_space<hbm>>
      tpu.enqueue_dma source(%arg10 : memref<1024xf32, #tpu.memory_space<vmem>>) target(%dma_start3A_241 : memref<1024xf32, #tpu.memory_space<hbm>>) target_semaphore(%arg18 : memref<!tpu.dma_semaphore, #tpu.memory_space<semaphore_mem>>)
      %dma_wait3A_242 = arith.constant 0 : i32
      %dma_wait3A_243 = arith.constant 0 : i32
      %dma_wait3A_244 = arith.constant 0 : i32
      %dma_wait3A_245 = tpu.memref_slice %arg3[%dma_wait3A_242, %dma_wait3A_243, %dma_wait3A_244] : memref<26x32x100000xf32, #tpu.memory_space<hbm>> -> memref<1x1x1024xf32, #tpu.memory_space<hbm>>
      %dma_wait3A_246 = tpu.memref_squeeze %dma_wait3A_245 : memref<1x1x1024xf32, #tpu.memory_space<hbm>> -> memref<1024xf32, #tpu.memory_space<hbm>>
      %dma_wait3A_247 = arith.constant 0 : i32
      %dma_wait3A_248 = tpu.memref_slice %arg3[%dma_wait3A_242, %dma_wait3A_243, %dma_wait3A_247] : memref<26x32x100000xf32, #tpu.memory_space<hbm>> -> memref<1x1x1024xf32, #tpu.memory_space<hbm>>
      %dma_wait3A_249 = tpu.memref_squeeze %dma_wait3A_248 : memref<1x1x1024xf32, #tpu.memory_space<hbm>> -> memref<1024xf32, #tpu.memory_space<hbm>>
      tpu.wait_dma2 semaphore(%arg19 : memref<!tpu.dma_semaphore, #tpu.memory_space<semaphore_mem>>) src(%dma_wait3A_249 : memref<1024xf32, #tpu.memory_space<hbm>>) dst(%arg11 : memref<1024xf32, #tpu.memory_space<vmem>>)
      %parallel_loop3A_250 = arith.constant 0 : i32
      %parallel_loop3A_251 = arith.constant 64 : i32
      %parallel_loop3A_252 = arith.constant 1 : i32
      scf.for %parallel_loop3A_422 = %parallel_loop3A_250 to %parallel_loop3A_251 step %parallel_loop3A_252  : i32 {
        %parallel_loop3A_423 = arith.constant 16 : i32
        %parallel_loop3A_424 = arith.muli %parallel_loop3A_422, %parallel_loop3A_423 : i32
        %parallel_loop3A_425 = arith.constant 10 : i32
        %parallel_loop3A_426 = arith.index_cast %parallel_loop3A_425 : i32 to index
        %parallel_loop3A_427 = arith.index_cast %parallel_loop3A_424 : i32 to index
        %parallel_loop3A_428 = tpu.vector_load %arg6[%parallel_loop3A_426, %parallel_loop3A_427] {strides = array<i32>} : memref<20x1024xi32, #tpu.memory_space<vmem>>, vector<16xi32>,
        %parallel_loop3A_429 = tpu.vector_load_idx %arg5[%parallel_loop3A_428] : memref<100000xf32, #tpu.memory_space<vmem>>[vector<16xi32>], vector<16xf32>,
        %parallel_loop3A_430 = arith.index_cast %parallel_loop3A_424 : i32 to index
        %parallel_loop3A_431 = tpu.vector_load %arg11[%parallel_loop3A_430] {strides = array<i32>} : memref<1024xf32, #tpu.memory_space<vmem>>, vector<16xf32>,
        tpu.vector_store %arg11[%parallel_loop3A_430], %parallel_loop3A_429 {strides = array<i32>} : memref<1024xf32, #tpu.memory_space<vmem>>, vector<16xf32>,
      } {sc.loop_unroll_factor = 8 : i64, sc.parallel_access}
      %dma_start3A_253 = arith.constant 10 : i32
      %dma_start3A_254 = arith.constant 0 : i32
      %dma_start3A_255 = tpu.memref_slice %arg4[%scan3A_53, %dma_start3A_253, %add3A, %dma_start3A_254] : memref<26x20x32x1024xf32, #tpu.memory_space<hbm>> -> memref<1x1x1x1024xf32, #tpu.memory_space<hbm>>
      %dma_start3A_256 = tpu.memref_squeeze %dma_start3A_255 : memref<1x1x1x1024xf32, #tpu.memory_space<hbm>> -> memref<1024xf32, #tpu.memory_space<hbm>>
      %dma_start3A_257 = arith.constant 0 : i32
      %dma_start3A_258 = tpu.memref_slice %arg4[%scan3A_53, %dma_start3A_253, %add3A, %dma_start3A_257] : memref<26x20x32x1024xf32, #tpu.memory_space<hbm>> -> memref<1x1x1x1024xf32, #tpu.memory_space<hbm>>
      %dma_start3A_259 = tpu.memref_squeeze %dma_start3A_258 : memref<1x1x1x1024xf32, #tpu.memory_space<hbm>> -> memref<1024xf32, #tpu.memory_space<hbm>>
      tpu.enqueue_dma source(%arg11 : memref<1024xf32, #tpu.memory_space<vmem>>) target(%dma_start3A_259 : memref<1024xf32, #tpu.memory_space<hbm>>) target_semaphore(%arg19 : memref<!tpu.dma_semaphore, #tpu.memory_space<semaphore_mem>>)
      %dma_wait3A_260 = arith.constant 0 : i32
      %dma_wait3A_261 = arith.constant 0 : i32
      %dma_wait3A_262 = arith.constant 0 : i32
      %dma_wait3A_263 = tpu.memref_slice %arg3[%dma_wait3A_260, %dma_wait3A_261, %dma_wait3A_262] : memref<26x32x100000xf32, #tpu.memory_space<hbm>> -> memref<1x1x1024xf32, #tpu.memory_space<hbm>>
      %dma_wait3A_264 = tpu.memref_squeeze %dma_wait3A_263 : memref<1x1x1024xf32, #tpu.memory_space<hbm>> -> memref<1024xf32, #tpu.memory_space<hbm>>
      %dma_wait3A_265 = arith.constant 0 : i32
      %dma_wait3A_266 = tpu.memref_slice %arg3[%dma_wait3A_260, %dma_wait3A_261, %dma_wait3A_265] : memref<26x32x100000xf32, #tpu.memory_space<hbm>> -> memref<1x1x1024xf32, #tpu.memory_space<hbm>>
      %dma_wait3A_267 = tpu.memref_squeeze %dma_wait3A_266 : memref<1x1x1024xf32, #tpu.memory_space<hbm>> -> memref<1024xf32, #tpu.memory_space<hbm>>
      tpu.wait_dma2 semaphore(%arg20 : memref<!tpu.dma_semaphore, #tpu.memory_space<semaphore_mem>>) src(%dma_wait3A_267 : memref<1024xf32, #tpu.memory_space<hbm>>) dst(%arg12 : memref<1024xf32, #tpu.memory_space<vmem>>)
      %parallel_loop3A_268 = arith.constant 0 : i32
      %parallel_loop3A_269 = arith.constant 64 : i32
      %parallel_loop3A_270 = arith.constant 1 : i32
      scf.for %parallel_loop3A_422 = %parallel_loop3A_268 to %parallel_loop3A_269 step %parallel_loop3A_270  : i32 {
        %parallel_loop3A_423 = arith.constant 16 : i32
        %parallel_loop3A_424 = arith.muli %parallel_loop3A_422, %parallel_loop3A_423 : i32
        %parallel_loop3A_425 = arith.constant 11 : i32
        %parallel_loop3A_426 = arith.index_cast %parallel_loop3A_425 : i32 to index
        %parallel_loop3A_427 = arith.index_cast %parallel_loop3A_424 : i32 to index
        %parallel_loop3A_428 = tpu.vector_load %arg6[%parallel_loop3A_426, %parallel_loop3A_427] {strides = array<i32>} : memref<20x1024xi32, #tpu.memory_space<vmem>>, vector<16xi32>,
        %parallel_loop3A_429 = tpu.vector_load_idx %arg5[%parallel_loop3A_428] : memref<100000xf32, #tpu.memory_space<vmem>>[vector<16xi32>], vector<16xf32>,
        %parallel_loop3A_430 = arith.index_cast %parallel_loop3A_424 : i32 to index
        %parallel_loop3A_431 = tpu.vector_load %arg12[%parallel_loop3A_430] {strides = array<i32>} : memref<1024xf32, #tpu.memory_space<vmem>>, vector<16xf32>,
        tpu.vector_store %arg12[%parallel_loop3A_430], %parallel_loop3A_429 {strides = array<i32>} : memref<1024xf32, #tpu.memory_space<vmem>>, vector<16xf32>,
      } {sc.loop_unroll_factor = 8 : i64, sc.parallel_access}
      %dma_start3A_271 = arith.constant 11 : i32
      %dma_start3A_272 = arith.constant 0 : i32
      %dma_start3A_273 = tpu.memref_slice %arg4[%scan3A_53, %dma_start3A_271, %add3A, %dma_start3A_272] : memref<26x20x32x1024xf32, #tpu.memory_space<hbm>> -> memref<1x1x1x1024xf32, #tpu.memory_space<hbm>>
      %dma_start3A_274 = tpu.memref_squeeze %dma_start3A_273 : memref<1x1x1x1024xf32, #tpu.memory_space<hbm>> -> memref<1024xf32, #tpu.memory_space<hbm>>
      %dma_start3A_275 = arith.constant 0 : i32
      %dma_start3A_276 = tpu.memref_slice %arg4[%scan3A_53, %dma_start3A_271, %add3A, %dma_start3A_275] : memref<26x20x32x1024xf32, #tpu.memory_space<hbm>> -> memref<1x1x1x1024xf32, #tpu.memory_space<hbm>>
      %dma_start3A_277 = tpu.memref_squeeze %dma_start3A_276 : memref<1x1x1x1024xf32, #tpu.memory_space<hbm>> -> memref<1024xf32, #tpu.memory_space<hbm>>
      tpu.enqueue_dma source(%arg12 : memref<1024xf32, #tpu.memory_space<vmem>>) target(%dma_start3A_277 : memref<1024xf32, #tpu.memory_space<hbm>>) target_semaphore(%arg20 : memref<!tpu.dma_semaphore, #tpu.memory_space<semaphore_mem>>)
      %dma_wait3A_278 = arith.constant 0 : i32
      %dma_wait3A_279 = arith.constant 0 : i32
      %dma_wait3A_280 = arith.constant 0 : i32
      %dma_wait3A_281 = tpu.memref_slice %arg3[%dma_wait3A_278, %dma_wait3A_279, %dma_wait3A_280] : memref<26x32x100000xf32, #tpu.memory_space<hbm>> -> memref<1x1x1024xf32, #tpu.memory_space<hbm>>
      %dma_wait3A_282 = tpu.memref_squeeze %dma_wait3A_281 : memref<1x1x1024xf32, #tpu.memory_space<hbm>> -> memref<1024xf32, #tpu.memory_space<hbm>>
      %dma_wait3A_283 = arith.constant 0 : i32
      %dma_wait3A_284 = tpu.memref_slice %arg3[%dma_wait3A_278, %dma_wait3A_279, %dma_wait3A_283] : memref<26x32x100000xf32, #tpu.memory_space<hbm>> -> memref<1x1x1024xf32, #tpu.memory_space<hbm>>
      %dma_wait3A_285 = tpu.memref_squeeze %dma_wait3A_284 : memref<1x1x1024xf32, #tpu.memory_space<hbm>> -> memref<1024xf32, #tpu.memory_space<hbm>>
      tpu.wait_dma2 semaphore(%arg15 : memref<!tpu.dma_semaphore, #tpu.memory_space<semaphore_mem>>) src(%dma_wait3A_285 : memref<1024xf32, #tpu.memory_space<hbm>>) dst(%arg7 : memref<1024xf32, #tpu.memory_space<vmem>>)
      %parallel_loop3A_286 = arith.constant 0 : i32
      %parallel_loop3A_287 = arith.constant 64 : i32
      %parallel_loop3A_288 = arith.constant 1 : i32
      scf.for %parallel_loop3A_422 = %parallel_loop3A_286 to %parallel_loop3A_287 step %parallel_loop3A_288  : i32 {
        %parallel_loop3A_423 = arith.constant 16 : i32
        %parallel_loop3A_424 = arith.muli %parallel_loop3A_422, %parallel_loop3A_423 : i32
        %parallel_loop3A_425 = arith.constant 12 : i32
        %parallel_loop3A_426 = arith.index_cast %parallel_loop3A_425 : i32 to index
        %parallel_loop3A_427 = arith.index_cast %parallel_loop3A_424 : i32 to index
        %parallel_loop3A_428 = tpu.vector_load %arg6[%parallel_loop3A_426, %parallel_loop3A_427] {strides = array<i32>} : memref<20x1024xi32, #tpu.memory_space<vmem>>, vector<16xi32>,
        %parallel_loop3A_429 = tpu.vector_load_idx %arg5[%parallel_loop3A_428] : memref<100000xf32, #tpu.memory_space<vmem>>[vector<16xi32>], vector<16xf32>,
        %parallel_loop3A_430 = arith.index_cast %parallel_loop3A_424 : i32 to index
        %parallel_loop3A_431 = tpu.vector_load %arg7[%parallel_loop3A_430] {strides = array<i32>} : memref<1024xf32, #tpu.memory_space<vmem>>, vector<16xf32>,
        tpu.vector_store %arg7[%parallel_loop3A_430], %parallel_loop3A_429 {strides = array<i32>} : memref<1024xf32, #tpu.memory_space<vmem>>, vector<16xf32>,
      } {sc.loop_unroll_factor = 8 : i64, sc.parallel_access}
      %dma_start3A_289 = arith.constant 12 : i32
      %dma_start3A_290 = arith.constant 0 : i32
      %dma_start3A_291 = tpu.memref_slice %arg4[%scan3A_53, %dma_start3A_289, %add3A, %dma_start3A_290] : memref<26x20x32x1024xf32, #tpu.memory_space<hbm>> -> memref<1x1x1x1024xf32, #tpu.memory_space<hbm>>
      %dma_start3A_292 = tpu.memref_squeeze %dma_start3A_291 : memref<1x1x1x1024xf32, #tpu.memory_space<hbm>> -> memref<1024xf32, #tpu.memory_space<hbm>>
      %dma_start3A_293 = arith.constant 0 : i32
      %dma_start3A_294 = tpu.memref_slice %arg4[%scan3A_53, %dma_start3A_289, %add3A, %dma_start3A_293] : memref<26x20x32x1024xf32, #tpu.memory_space<hbm>> -> memref<1x1x1x1024xf32, #tpu.memory_space<hbm>>
      %dma_start3A_295 = tpu.memref_squeeze %dma_start3A_294 : memref<1x1x1x1024xf32, #tpu.memory_space<hbm>> -> memref<1024xf32, #tpu.memory_space<hbm>>
      tpu.enqueue_dma source(%arg7 : memref<1024xf32, #tpu.memory_space<vmem>>) target(%dma_start3A_295 : memref<1024xf32, #tpu.memory_space<hbm>>) target_semaphore(%arg15 : memref<!tpu.dma_semaphore, #tpu.memory_space<semaphore_mem>>)
      %dma_wait3A_296 = arith.constant 0 : i32
      %dma_wait3A_297 = arith.constant 0 : i32
      %dma_wait3A_298 = arith.constant 0 : i32
      %dma_wait3A_299 = tpu.memref_slice %arg3[%dma_wait3A_296, %dma_wait3A_297, %dma_wait3A_298] : memref<26x32x100000xf32, #tpu.memory_space<hbm>> -> memref<1x1x1024xf32, #tpu.memory_space<hbm>>
      %dma_wait3A_300 = tpu.memref_squeeze %dma_wait3A_299 : memref<1x1x1024xf32, #tpu.memory_space<hbm>> -> memref<1024xf32, #tpu.memory_space<hbm>>
      %dma_wait3A_301 = arith.constant 0 : i32
      %dma_wait3A_302 = tpu.memref_slice %arg3[%dma_wait3A_296, %dma_wait3A_297, %dma_wait3A_301] : memref<26x32x100000xf32, #tpu.memory_space<hbm>> -> memref<1x1x1024xf32, #tpu.memory_space<hbm>>
      %dma_wait3A_303 = tpu.memref_squeeze %dma_wait3A_302 : memref<1x1x1024xf32, #tpu.memory_space<hbm>> -> memref<1024xf32, #tpu.memory_space<hbm>>
      tpu.wait_dma2 semaphore(%arg16 : memref<!tpu.dma_semaphore, #tpu.memory_space<semaphore_mem>>) src(%dma_wait3A_303 : memref<1024xf32, #tpu.memory_space<hbm>>) dst(%arg8 : memref<1024xf32, #tpu.memory_space<vmem>>)
      %parallel_loop3A_304 = arith.constant 0 : i32
      %parallel_loop3A_305 = arith.constant 64 : i32
      %parallel_loop3A_306 = arith.constant 1 : i32
      scf.for %parallel_loop3A_422 = %parallel_loop3A_304 to %parallel_loop3A_305 step %parallel_loop3A_306  : i32 {
        %parallel_loop3A_423 = arith.constant 16 : i32
        %parallel_loop3A_424 = arith.muli %parallel_loop3A_422, %parallel_loop3A_423 : i32
        %parallel_loop3A_425 = arith.constant 13 : i32
        %parallel_loop3A_426 = arith.index_cast %parallel_loop3A_425 : i32 to index
        %parallel_loop3A_427 = arith.index_cast %parallel_loop3A_424 : i32 to index
        %parallel_loop3A_428 = tpu.vector_load %arg6[%parallel_loop3A_426, %parallel_loop3A_427] {strides = array<i32>} : memref<20x1024xi32, #tpu.memory_space<vmem>>, vector<16xi32>,
        %parallel_loop3A_429 = tpu.vector_load_idx %arg5[%parallel_loop3A_428] : memref<100000xf32, #tpu.memory_space<vmem>>[vector<16xi32>], vector<16xf32>,
        %parallel_loop3A_430 = arith.index_cast %parallel_loop3A_424 : i32 to index
        %parallel_loop3A_431 = tpu.vector_load %arg8[%parallel_loop3A_430] {strides = array<i32>} : memref<1024xf32, #tpu.memory_space<vmem>>, vector<16xf32>,
        tpu.vector_store %arg8[%parallel_loop3A_430], %parallel_loop3A_429 {strides = array<i32>} : memref<1024xf32, #tpu.memory_space<vmem>>, vector<16xf32>,
      } {sc.loop_unroll_factor = 8 : i64, sc.parallel_access}
      %dma_start3A_307 = arith.constant 13 : i32
      %dma_start3A_308 = arith.constant 0 : i32
      %dma_start3A_309 = tpu.memref_slice %arg4[%scan3A_53, %dma_start3A_307, %add3A, %dma_start3A_308] : memref<26x20x32x1024xf32, #tpu.memory_space<hbm>> -> memref<1x1x1x1024xf32, #tpu.memory_space<hbm>>
      %dma_start3A_310 = tpu.memref_squeeze %dma_start3A_309 : memref<1x1x1x1024xf32, #tpu.memory_space<hbm>> -> memref<1024xf32, #tpu.memory_space<hbm>>
      %dma_start3A_311 = arith.constant 0 : i32
      %dma_start3A_312 = tpu.memref_slice %arg4[%scan3A_53, %dma_start3A_307, %add3A, %dma_start3A_311] : memref<26x20x32x1024xf32, #tpu.memory_space<hbm>> -> memref<1x1x1x1024xf32, #tpu.memory_space<hbm>>
      %dma_start3A_313 = tpu.memref_squeeze %dma_start3A_312 : memref<1x1x1x1024xf32, #tpu.memory_space<hbm>> -> memref<1024xf32, #tpu.memory_space<hbm>>
      tpu.enqueue_dma source(%arg8 : memref<1024xf32, #tpu.memory_space<vmem>>) target(%dma_start3A_313 : memref<1024xf32, #tpu.memory_space<hbm>>) target_semaphore(%arg16 : memref<!tpu.dma_semaphore, #tpu.memory_space<semaphore_mem>>)
      %dma_wait3A_314 = arith.constant 0 : i32
      %dma_wait3A_315 = arith.constant 0 : i32
      %dma_wait3A_316 = arith.constant 0 : i32
      %dma_wait3A_317 = tpu.memref_slice %arg3[%dma_wait3A_314, %dma_wait3A_315, %dma_wait3A_316] : memref<26x32x100000xf32, #tpu.memory_space<hbm>> -> memref<1x1x1024xf32, #tpu.memory_space<hbm>>
      %dma_wait3A_318 = tpu.memref_squeeze %dma_wait3A_317 : memref<1x1x1024xf32, #tpu.memory_space<hbm>> -> memref<1024xf32, #tpu.memory_space<hbm>>
      %dma_wait3A_319 = arith.constant 0 : i32
      %dma_wait3A_320 = tpu.memref_slice %arg3[%dma_wait3A_314, %dma_wait3A_315, %dma_wait3A_319] : memref<26x32x100000xf32, #tpu.memory_space<hbm>> -> memref<1x1x1024xf32, #tpu.memory_space<hbm>>
      %dma_wait3A_321 = tpu.memref_squeeze %dma_wait3A_320 : memref<1x1x1024xf32, #tpu.memory_space<hbm>> -> memref<1024xf32, #tpu.memory_space<hbm>>
      tpu.wait_dma2 semaphore(%arg17 : memref<!tpu.dma_semaphore, #tpu.memory_space<semaphore_mem>>) src(%dma_wait3A_321 : memref<1024xf32, #tpu.memory_space<hbm>>) dst(%arg9 : memref<1024xf32, #tpu.memory_space<vmem>>)
      %parallel_loop3A_322 = arith.constant 0 : i32
      %parallel_loop3A_323 = arith.constant 64 : i32
      %parallel_loop3A_324 = arith.constant 1 : i32
      scf.for %parallel_loop3A_422 = %parallel_loop3A_322 to %parallel_loop3A_323 step %parallel_loop3A_324  : i32 {
        %parallel_loop3A_423 = arith.constant 16 : i32
        %parallel_loop3A_424 = arith.muli %parallel_loop3A_422, %parallel_loop3A_423 : i32
        %parallel_loop3A_425 = arith.constant 14 : i32
        %parallel_loop3A_426 = arith.index_cast %parallel_loop3A_425 : i32 to index
        %parallel_loop3A_427 = arith.index_cast %parallel_loop3A_424 : i32 to index
        %parallel_loop3A_428 = tpu.vector_load %arg6[%parallel_loop3A_426, %parallel_loop3A_427] {strides = array<i32>} : memref<20x1024xi32, #tpu.memory_space<vmem>>, vector<16xi32>,
        %parallel_loop3A_429 = tpu.vector_load_idx %arg5[%parallel_loop3A_428] : memref<100000xf32, #tpu.memory_space<vmem>>[vector<16xi32>], vector<16xf32>,
        %parallel_loop3A_430 = arith.index_cast %parallel_loop3A_424 : i32 to index
        %parallel_loop3A_431 = tpu.vector_load %arg9[%parallel_loop3A_430] {strides = array<i32>} : memref<1024xf32, #tpu.memory_space<vmem>>, vector<16xf32>,
        tpu.vector_store %arg9[%parallel_loop3A_430], %parallel_loop3A_429 {strides = array<i32>} : memref<1024xf32, #tpu.memory_space<vmem>>, vector<16xf32>,
      } {sc.loop_unroll_factor = 8 : i64, sc.parallel_access}
      %dma_start3A_325 = arith.constant 14 : i32
      %dma_start3A_326 = arith.constant 0 : i32
      %dma_start3A_327 = tpu.memref_slice %arg4[%scan3A_53, %dma_start3A_325, %add3A, %dma_start3A_326] : memref<26x20x32x1024xf32, #tpu.memory_space<hbm>> -> memref<1x1x1x1024xf32, #tpu.memory_space<hbm>>
      %dma_start3A_328 = tpu.memref_squeeze %dma_start3A_327 : memref<1x1x1x1024xf32, #tpu.memory_space<hbm>> -> memref<1024xf32, #tpu.memory_space<hbm>>
      %dma_start3A_329 = arith.constant 0 : i32
      %dma_start3A_330 = tpu.memref_slice %arg4[%scan3A_53, %dma_start3A_325, %add3A, %dma_start3A_329] : memref<26x20x32x1024xf32, #tpu.memory_space<hbm>> -> memref<1x1x1x1024xf32, #tpu.memory_space<hbm>>
      %dma_start3A_331 = tpu.memref_squeeze %dma_start3A_330 : memref<1x1x1x1024xf32, #tpu.memory_space<hbm>> -> memref<1024xf32, #tpu.memory_space<hbm>>
      tpu.enqueue_dma source(%arg9 : memref<1024xf32, #tpu.memory_space<vmem>>) target(%dma_start3A_331 : memref<1024xf32, #tpu.memory_space<hbm>>) target_semaphore(%arg17 : memref<!tpu.dma_semaphore, #tpu.memory_space<semaphore_mem>>)
      %dma_wait3A_332 = arith.constant 0 : i32
      %dma_wait3A_333 = arith.constant 0 : i32
      %dma_wait3A_334 = arith.constant 0 : i32
      %dma_wait3A_335 = tpu.memref_slice %arg3[%dma_wait3A_332, %dma_wait3A_333, %dma_wait3A_334] : memref<26x32x100000xf32, #tpu.memory_space<hbm>> -> memref<1x1x1024xf32, #tpu.memory_space<hbm>>
      %dma_wait3A_336 = tpu.memref_squeeze %dma_wait3A_335 : memref<1x1x1024xf32, #tpu.memory_space<hbm>> -> memref<1024xf32, #tpu.memory_space<hbm>>
      %dma_wait3A_337 = arith.constant 0 : i32
      %dma_wait3A_338 = tpu.memref_slice %arg3[%dma_wait3A_332, %dma_wait3A_333, %dma_wait3A_337] : memref<26x32x100000xf32, #tpu.memory_space<hbm>> -> memref<1x1x1024xf32, #tpu.memory_space<hbm>>
      %dma_wait3A_339 = tpu.memref_squeeze %dma_wait3A_338 : memref<1x1x1024xf32, #tpu.memory_space<hbm>> -> memref<1024xf32, #tpu.memory_space<hbm>>
      tpu.wait_dma2 semaphore(%arg18 : memref<!tpu.dma_semaphore, #tpu.memory_space<semaphore_mem>>) src(%dma_wait3A_339 : memref<1024xf32, #tpu.memory_space<hbm>>) dst(%arg10 : memref<1024xf32, #tpu.memory_space<vmem>>)
      %parallel_loop3A_340 = arith.constant 0 : i32
      %parallel_loop3A_341 = arith.constant 64 : i32
      %parallel_loop3A_342 = arith.constant 1 : i32
      scf.for %parallel_loop3A_422 = %parallel_loop3A_340 to %parallel_loop3A_341 step %parallel_loop3A_342  : i32 {
        %parallel_loop3A_423 = arith.constant 16 : i32
        %parallel_loop3A_424 = arith.muli %parallel_loop3A_422, %parallel_loop3A_423 : i32
        %parallel_loop3A_425 = arith.constant 15 : i32
        %parallel_loop3A_426 = arith.index_cast %parallel_loop3A_425 : i32 to index
        %parallel_loop3A_427 = arith.index_cast %parallel_loop3A_424 : i32 to index
        %parallel_loop3A_428 = tpu.vector_load %arg6[%parallel_loop3A_426, %parallel_loop3A_427] {strides = array<i32>} : memref<20x1024xi32, #tpu.memory_space<vmem>>, vector<16xi32>,
        %parallel_loop3A_429 = tpu.vector_load_idx %arg5[%parallel_loop3A_428] : memref<100000xf32, #tpu.memory_space<vmem>>[vector<16xi32>], vector<16xf32>,
        %parallel_loop3A_430 = arith.index_cast %parallel_loop3A_424 : i32 to index
        %parallel_loop3A_431 = tpu.vector_load %arg10[%parallel_loop3A_430] {strides = array<i32>} : memref<1024xf32, #tpu.memory_space<vmem>>, vector<16xf32>,
        tpu.vector_store %arg10[%parallel_loop3A_430], %parallel_loop3A_429 {strides = array<i32>} : memref<1024xf32, #tpu.memory_space<vmem>>, vector<16xf32>,
      } {sc.loop_unroll_factor = 8 : i64, sc.parallel_access}
      %dma_start3A_343 = arith.constant 15 : i32
      %dma_start3A_344 = arith.constant 0 : i32
      %dma_start3A_345 = tpu.memref_slice %arg4[%scan3A_53, %dma_start3A_343, %add3A, %dma_start3A_344] : memref<26x20x32x1024xf32, #tpu.memory_space<hbm>> -> memref<1x1x1x1024xf32, #tpu.memory_space<hbm>>
      %dma_start3A_346 = tpu.memref_squeeze %dma_start3A_345 : memref<1x1x1x1024xf32, #tpu.memory_space<hbm>> -> memref<1024xf32, #tpu.memory_space<hbm>>
      %dma_start3A_347 = arith.constant 0 : i32
      %dma_start3A_348 = tpu.memref_slice %arg4[%scan3A_53, %dma_start3A_343, %add3A, %dma_start3A_347] : memref<26x20x32x1024xf32, #tpu.memory_space<hbm>> -> memref<1x1x1x1024xf32, #tpu.memory_space<hbm>>
      %dma_start3A_349 = tpu.memref_squeeze %dma_start3A_348 : memref<1x1x1x1024xf32, #tpu.memory_space<hbm>> -> memref<1024xf32, #tpu.memory_space<hbm>>
      tpu.enqueue_dma source(%arg10 : memref<1024xf32, #tpu.memory_space<vmem>>) target(%dma_start3A_349 : memref<1024xf32, #tpu.memory_space<hbm>>) target_semaphore(%arg18 : memref<!tpu.dma_semaphore, #tpu.memory_space<semaphore_mem>>)
      %dma_wait3A_350 = arith.constant 0 : i32
      %dma_wait3A_351 = arith.constant 0 : i32
      %dma_wait3A_352 = arith.constant 0 : i32
      %dma_wait3A_353 = tpu.memref_slice %arg3[%dma_wait3A_350, %dma_wait3A_351, %dma_wait3A_352] : memref<26x32x100000xf32, #tpu.memory_space<hbm>> -> memref<1x1x1024xf32, #tpu.memory_space<hbm>>
      %dma_wait3A_354 = tpu.memref_squeeze %dma_wait3A_353 : memref<1x1x1024xf32, #tpu.memory_space<hbm>> -> memref<1024xf32, #tpu.memory_space<hbm>>
      %dma_wait3A_355 = arith.constant 0 : i32
      %dma_wait3A_356 = tpu.memref_slice %arg3[%dma_wait3A_350, %dma_wait3A_351, %dma_wait3A_355] : memref<26x32x100000xf32, #tpu.memory_space<hbm>> -> memref<1x1x1024xf32, #tpu.memory_space<hbm>>
      %dma_wait3A_357 = tpu.memref_squeeze %dma_wait3A_356 : memref<1x1x1024xf32, #tpu.memory_space<hbm>> -> memref<1024xf32, #tpu.memory_space<hbm>>
      tpu.wait_dma2 semaphore(%arg19 : memref<!tpu.dma_semaphore, #tpu.memory_space<semaphore_mem>>) src(%dma_wait3A_357 : memref<1024xf32, #tpu.memory_space<hbm>>) dst(%arg11 : memref<1024xf32, #tpu.memory_space<vmem>>)
      %parallel_loop3A_358 = arith.constant 0 : i32
      %parallel_loop3A_359 = arith.constant 64 : i32
      %parallel_loop3A_360 = arith.constant 1 : i32
      scf.for %parallel_loop3A_422 = %parallel_loop3A_358 to %parallel_loop3A_359 step %parallel_loop3A_360  : i32 {
        %parallel_loop3A_423 = arith.constant 16 : i32
        %parallel_loop3A_424 = arith.muli %parallel_loop3A_422, %parallel_loop3A_423 : i32
        %parallel_loop3A_425 = arith.constant 16 : i32
        %parallel_loop3A_426 = arith.index_cast %parallel_loop3A_425 : i32 to index
        %parallel_loop3A_427 = arith.index_cast %parallel_loop3A_424 : i32 to index
        %parallel_loop3A_428 = tpu.vector_load %arg6[%parallel_loop3A_426, %parallel_loop3A_427] {strides = array<i32>} : memref<20x1024xi32, #tpu.memory_space<vmem>>, vector<16xi32>,
        %parallel_loop3A_429 = tpu.vector_load_idx %arg5[%parallel_loop3A_428] : memref<100000xf32, #tpu.memory_space<vmem>>[vector<16xi32>], vector<16xf32>,
        %parallel_loop3A_430 = arith.index_cast %parallel_loop3A_424 : i32 to index
        %parallel_loop3A_431 = tpu.vector_load %arg11[%parallel_loop3A_430] {strides = array<i32>} : memref<1024xf32, #tpu.memory_space<vmem>>, vector<16xf32>,
        tpu.vector_store %arg11[%parallel_loop3A_430], %parallel_loop3A_429 {strides = array<i32>} : memref<1024xf32, #tpu.memory_space<vmem>>, vector<16xf32>,
      } {sc.loop_unroll_factor = 8 : i64, sc.parallel_access}
      %dma_start3A_361 = arith.constant 16 : i32
      %dma_start3A_362 = arith.constant 0 : i32
      %dma_start3A_363 = tpu.memref_slice %arg4[%scan3A_53, %dma_start3A_361, %add3A, %dma_start3A_362] : memref<26x20x32x1024xf32, #tpu.memory_space<hbm>> -> memref<1x1x1x1024xf32, #tpu.memory_space<hbm>>
      %dma_start3A_364 = tpu.memref_squeeze %dma_start3A_363 : memref<1x1x1x1024xf32, #tpu.memory_space<hbm>> -> memref<1024xf32, #tpu.memory_space<hbm>>
      %dma_start3A_365 = arith.constant 0 : i32
      %dma_start3A_366 = tpu.memref_slice %arg4[%scan3A_53, %dma_start3A_361, %add3A, %dma_start3A_365] : memref<26x20x32x1024xf32, #tpu.memory_space<hbm>> -> memref<1x1x1x1024xf32, #tpu.memory_space<hbm>>
      %dma_start3A_367 = tpu.memref_squeeze %dma_start3A_366 : memref<1x1x1x1024xf32, #tpu.memory_space<hbm>> -> memref<1024xf32, #tpu.memory_space<hbm>>
      tpu.enqueue_dma source(%arg11 : memref<1024xf32, #tpu.memory_space<vmem>>) target(%dma_start3A_367 : memref<1024xf32, #tpu.memory_space<hbm>>) target_semaphore(%arg19 : memref<!tpu.dma_semaphore, #tpu.memory_space<semaphore_mem>>)
      %dma_wait3A_368 = arith.constant 0 : i32
      %dma_wait3A_369 = arith.constant 0 : i32
      %dma_wait3A_370 = arith.constant 0 : i32
      %dma_wait3A_371 = tpu.memref_slice %arg3[%dma_wait3A_368, %dma_wait3A_369, %dma_wait3A_370] : memref<26x32x100000xf32, #tpu.memory_space<hbm>> -> memref<1x1x1024xf32, #tpu.memory_space<hbm>>
      %dma_wait3A_372 = tpu.memref_squeeze %dma_wait3A_371 : memref<1x1x1024xf32, #tpu.memory_space<hbm>> -> memref<1024xf32, #tpu.memory_space<hbm>>
      %dma_wait3A_373 = arith.constant 0 : i32
      %dma_wait3A_374 = tpu.memref_slice %arg3[%dma_wait3A_368, %dma_wait3A_369, %dma_wait3A_373] : memref<26x32x100000xf32, #tpu.memory_space<hbm>> -> memref<1x1x1024xf32, #tpu.memory_space<hbm>>
      %dma_wait3A_375 = tpu.memref_squeeze %dma_wait3A_374 : memref<1x1x1024xf32, #tpu.memory_space<hbm>> -> memref<1024xf32, #tpu.memory_space<hbm>>
      tpu.wait_dma2 semaphore(%arg20 : memref<!tpu.dma_semaphore, #tpu.memory_space<semaphore_mem>>) src(%dma_wait3A_375 : memref<1024xf32, #tpu.memory_space<hbm>>) dst(%arg12 : memref<1024xf32, #tpu.memory_space<vmem>>)
      %parallel_loop3A_376 = arith.constant 0 : i32
      %parallel_loop3A_377 = arith.constant 64 : i32
      %parallel_loop3A_378 = arith.constant 1 : i32
      scf.for %parallel_loop3A_422 = %parallel_loop3A_376 to %parallel_loop3A_377 step %parallel_loop3A_378  : i32 {
        %parallel_loop3A_423 = arith.constant 16 : i32
        %parallel_loop3A_424 = arith.muli %parallel_loop3A_422, %parallel_loop3A_423 : i32
        %parallel_loop3A_425 = arith.constant 17 : i32
        %parallel_loop3A_426 = arith.index_cast %parallel_loop3A_425 : i32 to index
        %parallel_loop3A_427 = arith.index_cast %parallel_loop3A_424 : i32 to index
        %parallel_loop3A_428 = tpu.vector_load %arg6[%parallel_loop3A_426, %parallel_loop3A_427] {strides = array<i32>} : memref<20x1024xi32, #tpu.memory_space<vmem>>, vector<16xi32>,
        %parallel_loop3A_429 = tpu.vector_load_idx %arg5[%parallel_loop3A_428] : memref<100000xf32, #tpu.memory_space<vmem>>[vector<16xi32>], vector<16xf32>,
        %parallel_loop3A_430 = arith.index_cast %parallel_loop3A_424 : i32 to index
        %parallel_loop3A_431 = tpu.vector_load %arg12[%parallel_loop3A_430] {strides = array<i32>} : memref<1024xf32, #tpu.memory_space<vmem>>, vector<16xf32>,
        tpu.vector_store %arg12[%parallel_loop3A_430], %parallel_loop3A_429 {strides = array<i32>} : memref<1024xf32, #tpu.memory_space<vmem>>, vector<16xf32>,
      } {sc.loop_unroll_factor = 8 : i64, sc.parallel_access}
      %dma_start3A_379 = arith.constant 17 : i32
      %dma_start3A_380 = arith.constant 0 : i32
      %dma_start3A_381 = tpu.memref_slice %arg4[%scan3A_53, %dma_start3A_379, %add3A, %dma_start3A_380] : memref<26x20x32x1024xf32, #tpu.memory_space<hbm>> -> memref<1x1x1x1024xf32, #tpu.memory_space<hbm>>
      %dma_start3A_382 = tpu.memref_squeeze %dma_start3A_381 : memref<1x1x1x1024xf32, #tpu.memory_space<hbm>> -> memref<1024xf32, #tpu.memory_space<hbm>>
      %dma_start3A_383 = arith.constant 0 : i32
      %dma_start3A_384 = tpu.memref_slice %arg4[%scan3A_53, %dma_start3A_379, %add3A, %dma_start3A_383] : memref<26x20x32x1024xf32, #tpu.memory_space<hbm>> -> memref<1x1x1x1024xf32, #tpu.memory_space<hbm>>
      %dma_start3A_385 = tpu.memref_squeeze %dma_start3A_384 : memref<1x1x1x1024xf32, #tpu.memory_space<hbm>> -> memref<1024xf32, #tpu.memory_space<hbm>>
      tpu.enqueue_dma source(%arg12 : memref<1024xf32, #tpu.memory_space<vmem>>) target(%dma_start3A_385 : memref<1024xf32, #tpu.memory_space<hbm>>) target_semaphore(%arg20 : memref<!tpu.dma_semaphore, #tpu.memory_space<semaphore_mem>>)
      %dma_wait3A_386 = arith.constant 0 : i32
      %dma_wait3A_387 = arith.constant 0 : i32
      %dma_wait3A_388 = arith.constant 0 : i32
      %dma_wait3A_389 = tpu.memref_slice %arg3[%dma_wait3A_386, %dma_wait3A_387, %dma_wait3A_388] : memref<26x32x100000xf32, #tpu.memory_space<hbm>> -> memref<1x1x1024xf32, #tpu.memory_space<hbm>>
      %dma_wait3A_390 = tpu.memref_squeeze %dma_wait3A_389 : memref<1x1x1024xf32, #tpu.memory_space<hbm>> -> memref<1024xf32, #tpu.memory_space<hbm>>
      %dma_wait3A_391 = arith.constant 0 : i32
      %dma_wait3A_392 = tpu.memref_slice %arg3[%dma_wait3A_386, %dma_wait3A_387, %dma_wait3A_391] : memref<26x32x100000xf32, #tpu.memory_space<hbm>> -> memref<1x1x1024xf32, #tpu.memory_space<hbm>>
      %dma_wait3A_393 = tpu.memref_squeeze %dma_wait3A_392 : memref<1x1x1024xf32, #tpu.memory_space<hbm>> -> memref<1024xf32, #tpu.memory_space<hbm>>
      tpu.wait_dma2 semaphore(%arg15 : memref<!tpu.dma_semaphore, #tpu.memory_space<semaphore_mem>>) src(%dma_wait3A_393 : memref<1024xf32, #tpu.memory_space<hbm>>) dst(%arg7 : memref<1024xf32, #tpu.memory_space<vmem>>)
      %parallel_loop3A_394 = arith.constant 0 : i32
      %parallel_loop3A_395 = arith.constant 64 : i32
      %parallel_loop3A_396 = arith.constant 1 : i32
      scf.for %parallel_loop3A_422 = %parallel_loop3A_394 to %parallel_loop3A_395 step %parallel_loop3A_396  : i32 {
        %parallel_loop3A_423 = arith.constant 16 : i32
        %parallel_loop3A_424 = arith.muli %parallel_loop3A_422, %parallel_loop3A_423 : i32
        %parallel_loop3A_425 = arith.constant 18 : i32
        %parallel_loop3A_426 = arith.index_cast %parallel_loop3A_425 : i32 to index
        %parallel_loop3A_427 = arith.index_cast %parallel_loop3A_424 : i32 to index
        %parallel_loop3A_428 = tpu.vector_load %arg6[%parallel_loop3A_426, %parallel_loop3A_427] {strides = array<i32>} : memref<20x1024xi32, #tpu.memory_space<vmem>>, vector<16xi32>,
        %parallel_loop3A_429 = tpu.vector_load_idx %arg5[%parallel_loop3A_428] : memref<100000xf32, #tpu.memory_space<vmem>>[vector<16xi32>], vector<16xf32>,
        %parallel_loop3A_430 = arith.index_cast %parallel_loop3A_424 : i32 to index
        %parallel_loop3A_431 = tpu.vector_load %arg7[%parallel_loop3A_430] {strides = array<i32>} : memref<1024xf32, #tpu.memory_space<vmem>>, vector<16xf32>,
        tpu.vector_store %arg7[%parallel_loop3A_430], %parallel_loop3A_429 {strides = array<i32>} : memref<1024xf32, #tpu.memory_space<vmem>>, vector<16xf32>,
      } {sc.loop_unroll_factor = 8 : i64, sc.parallel_access}
      %dma_start3A_397 = arith.constant 18 : i32
      %dma_start3A_398 = arith.constant 0 : i32
      %dma_start3A_399 = tpu.memref_slice %arg4[%scan3A_53, %dma_start3A_397, %add3A, %dma_start3A_398] : memref<26x20x32x1024xf32, #tpu.memory_space<hbm>> -> memref<1x1x1x1024xf32, #tpu.memory_space<hbm>>
      %dma_start3A_400 = tpu.memref_squeeze %dma_start3A_399 : memref<1x1x1x1024xf32, #tpu.memory_space<hbm>> -> memref<1024xf32, #tpu.memory_space<hbm>>
      %dma_start3A_401 = arith.constant 0 : i32
      %dma_start3A_402 = tpu.memref_slice %arg4[%scan3A_53, %dma_start3A_397, %add3A, %dma_start3A_401] : memref<26x20x32x1024xf32, #tpu.memory_space<hbm>> -> memref<1x1x1x1024xf32, #tpu.memory_space<hbm>>
      %dma_start3A_403 = tpu.memref_squeeze %dma_start3A_402 : memref<1x1x1x1024xf32, #tpu.memory_space<hbm>> -> memref<1024xf32, #tpu.memory_space<hbm>>
      tpu.enqueue_dma source(%arg7 : memref<1024xf32, #tpu.memory_space<vmem>>) target(%dma_start3A_403 : memref<1024xf32, #tpu.memory_space<hbm>>) target_semaphore(%arg15 : memref<!tpu.dma_semaphore, #tpu.memory_space<semaphore_mem>>)
      %dma_wait3A_404 = arith.constant 0 : i32
      %dma_wait3A_405 = arith.constant 0 : i32
      %dma_wait3A_406 = arith.constant 0 : i32
      %dma_wait3A_407 = tpu.memref_slice %arg3[%dma_wait3A_404, %dma_wait3A_405, %dma_wait3A_406] : memref<26x32x100000xf32, #tpu.memory_space<hbm>> -> memref<1x1x1024xf32, #tpu.memory_space<hbm>>
      %dma_wait3A_408 = tpu.memref_squeeze %dma_wait3A_407 : memref<1x1x1024xf32, #tpu.memory_space<hbm>> -> memref<1024xf32, #tpu.memory_space<hbm>>
      %dma_wait3A_409 = arith.constant 0 : i32
      %dma_wait3A_410 = tpu.memref_slice %arg3[%dma_wait3A_404, %dma_wait3A_405, %dma_wait3A_409] : memref<26x32x100000xf32, #tpu.memory_space<hbm>> -> memref<1x1x1024xf32, #tpu.memory_space<hbm>>
      %dma_wait3A_411 = tpu.memref_squeeze %dma_wait3A_410 : memref<1x1x1024xf32, #tpu.memory_space<hbm>> -> memref<1024xf32, #tpu.memory_space<hbm>>
      tpu.wait_dma2 semaphore(%arg16 : memref<!tpu.dma_semaphore, #tpu.memory_space<semaphore_mem>>) src(%dma_wait3A_411 : memref<1024xf32, #tpu.memory_space<hbm>>) dst(%arg8 : memref<1024xf32, #tpu.memory_space<vmem>>)
      %parallel_loop3A_412 = arith.constant 0 : i32
      %parallel_loop3A_413 = arith.constant 64 : i32
      %parallel_loop3A_414 = arith.constant 1 : i32
      scf.for %parallel_loop3A_422 = %parallel_loop3A_412 to %parallel_loop3A_413 step %parallel_loop3A_414  : i32 {
        %parallel_loop3A_423 = arith.constant 16 : i32
        %parallel_loop3A_424 = arith.muli %parallel_loop3A_422, %parallel_loop3A_423 : i32
        %parallel_loop3A_425 = arith.constant 19 : i32
        %parallel_loop3A_426 = arith.index_cast %parallel_loop3A_425 : i32 to index
        %parallel_loop3A_427 = arith.index_cast %parallel_loop3A_424 : i32 to index
        %parallel_loop3A_428 = tpu.vector_load %arg6[%parallel_loop3A_426, %parallel_loop3A_427] {strides = array<i32>} : memref<20x1024xi32, #tpu.memory_space<vmem>>, vector<16xi32>,
        %parallel_loop3A_429 = tpu.vector_load_idx %arg5[%parallel_loop3A_428] : memref<100000xf32, #tpu.memory_space<vmem>>[vector<16xi32>], vector<16xf32>,
        %parallel_loop3A_430 = arith.index_cast %parallel_loop3A_424 : i32 to index
        %parallel_loop3A_431 = tpu.vector_load %arg8[%parallel_loop3A_430] {strides = array<i32>} : memref<1024xf32, #tpu.memory_space<vmem>>, vector<16xf32>,
        tpu.vector_store %arg8[%parallel_loop3A_430], %parallel_loop3A_429 {strides = array<i32>} : memref<1024xf32, #tpu.memory_space<vmem>>, vector<16xf32>,
      } {sc.loop_unroll_factor = 8 : i64, sc.parallel_access}
      %dma_start3A_415 = arith.constant 19 : i32
      %dma_start3A_416 = arith.constant 0 : i32
      %dma_start3A_417 = tpu.memref_slice %arg4[%scan3A_53, %dma_start3A_415, %add3A, %dma_start3A_416] : memref<26x20x32x1024xf32, #tpu.memory_space<hbm>> -> memref<1x1x1x1024xf32, #tpu.memory_space<hbm>>
      %dma_start3A_418 = tpu.memref_squeeze %dma_start3A_417 : memref<1x1x1x1024xf32, #tpu.memory_space<hbm>> -> memref<1024xf32, #tpu.memory_space<hbm>>
      %dma_start3A_419 = arith.constant 0 : i32
      %dma_start3A_420 = tpu.memref_slice %arg4[%scan3A_53, %dma_start3A_415, %add3A, %dma_start3A_419] : memref<26x20x32x1024xf32, #tpu.memory_space<hbm>> -> memref<1x1x1x1024xf32, #tpu.memory_space<hbm>>
      %dma_start3A_421 = tpu.memref_squeeze %dma_start3A_420 : memref<1x1x1x1024xf32, #tpu.memory_space<hbm>> -> memref<1024xf32, #tpu.memory_space<hbm>>
      tpu.enqueue_dma source(%arg8 : memref<1024xf32, #tpu.memory_space<vmem>>) target(%dma_start3A_421 : memref<1024xf32, #tpu.memory_space<hbm>>) target_semaphore(%arg16 : memref<!tpu.dma_semaphore, #tpu.memory_space<semaphore_mem>>)
    }
    %scan3A_5 = arith.constant 26 : i32
    %dma_wait3A = arith.constant 0 : i32
    %dma_wait3A_6 = arith.constant 0 : i32
    %dma_wait3A_7 = arith.constant 0 : i32
    %dma_wait3A_8 = tpu.memref_slice %arg3[%dma_wait3A, %dma_wait3A_6, %dma_wait3A_7] : memref<26x32x100000xf32, #tpu.memory_space<hbm>> -> memref<1x1x1024xf32, #tpu.memory_space<hbm>>
    %dma_wait3A_9 = tpu.memref_squeeze %dma_wait3A_8 : memref<1x1x1024xf32, #tpu.memory_space<hbm>> -> memref<1024xf32, #tpu.memory_space<hbm>>
    %dma_wait3A_10 = arith.constant 0 : i32
    %dma_wait3A_11 = tpu.memref_slice %arg3[%dma_wait3A, %dma_wait3A_6, %dma_wait3A_10] : memref<26x32x100000xf32, #tpu.memory_space<hbm>> -> memref<1x1x1024xf32, #tpu.memory_space<hbm>>
    %dma_wait3A_12 = tpu.memref_squeeze %dma_wait3A_11 : memref<1x1x1024xf32, #tpu.memory_space<hbm>> -> memref<1024xf32, #tpu.memory_space<hbm>>
    tpu.wait_dma2 semaphore(%arg15 : memref<!tpu.dma_semaphore, #tpu.memory_space<semaphore_mem>>) src(%dma_wait3A_12 : memref<1024xf32, #tpu.memory_space<hbm>>) dst(%arg7 : memref<1024xf32, #tpu.memory_space<vmem>>)
    %dma_wait3A_13 = arith.constant 0 : i32
    %dma_wait3A_14 = arith.constant 0 : i32
    %dma_wait3A_15 = arith.constant 0 : i32
    %dma_wait3A_16 = tpu.memref_slice %arg3[%dma_wait3A_13, %dma_wait3A_14, %dma_wait3A_15] : memref<26x32x100000xf32, #tpu.memory_space<hbm>> -> memref<1x1x1024xf32, #tpu.memory_space<hbm>>
    %dma_wait3A_17 = tpu.memref_squeeze %dma_wait3A_16 : memref<1x1x1024xf32, #tpu.memory_space<hbm>> -> memref<1024xf32, #tpu.memory_space<hbm>>
    %dma_wait3A_18 = arith.constant 0 : i32
    %dma_wait3A_19 = tpu.memref_slice %arg3[%dma_wait3A_13, %dma_wait3A_14, %dma_wait3A_18] : memref<26x32x100000xf32, #tpu.memory_space<hbm>> -> memref<1x1x1024xf32, #tpu.memory_space<hbm>>
    %dma_wait3A_20 = tpu.memref_squeeze %dma_wait3A_19 : memref<1x1x1024xf32, #tpu.memory_space<hbm>> -> memref<1024xf32, #tpu.memory_space<hbm>>
    tpu.wait_dma2 semaphore(%arg16 : memref<!tpu.dma_semaphore, #tpu.memory_space<semaphore_mem>>) src(%dma_wait3A_20 : memref<1024xf32, #tpu.memory_space<hbm>>) dst(%arg8 : memref<1024xf32, #tpu.memory_space<vmem>>)
    %dma_wait3A_21 = arith.constant 0 : i32
    %dma_wait3A_22 = arith.constant 0 : i32
    %dma_wait3A_23 = arith.constant 0 : i32
    %dma_wait3A_24 = tpu.memref_slice %arg3[%dma_wait3A_21, %dma_wait3A_22, %dma_wait3A_23] : memref<26x32x100000xf32, #tpu.memory_space<hbm>> -> memref<1x1x1024xf32, #tpu.memory_space<hbm>>
    %dma_wait3A_25 = tpu.memref_squeeze %dma_wait3A_24 : memref<1x1x1024xf32, #tpu.memory_space<hbm>> -> memref<1024xf32, #tpu.memory_space<hbm>>
    %dma_wait3A_26 = arith.constant 0 : i32
    %dma_wait3A_27 = tpu.memref_slice %arg3[%dma_wait3A_21, %dma_wait3A_22, %dma_wait3A_26] : memref<26x32x100000xf32, #tpu.memory_space<hbm>> -> memref<1x1x1024xf32, #tpu.memory_space<hbm>>
    %dma_wait3A_28 = tpu.memref_squeeze %dma_wait3A_27 : memref<1x1x1024xf32, #tpu.memory_space<hbm>> -> memref<1024xf32, #tpu.memory_space<hbm>>
    tpu.wait_dma2 semaphore(%arg17 : memref<!tpu.dma_semaphore, #tpu.memory_space<semaphore_mem>>) src(%dma_wait3A_28 : memref<1024xf32, #tpu.memory_space<hbm>>) dst(%arg9 : memref<1024xf32, #tpu.memory_space<vmem>>)
    %dma_wait3A_29 = arith.constant 0 : i32
    %dma_wait3A_30 = arith.constant 0 : i32
    %dma_wait3A_31 = arith.constant 0 : i32
    %dma_wait3A_32 = tpu.memref_slice %arg3[%dma_wait3A_29, %dma_wait3A_30, %dma_wait3A_31] : memref<26x32x100000xf32, #tpu.memory_space<hbm>> -> memref<1x1x1024xf32, #tpu.memory_space<hbm>>
    %dma_wait3A_33 = tpu.memref_squeeze %dma_wait3A_32 : memref<1x1x1024xf32, #tpu.memory_space<hbm>> -> memref<1024xf32, #tpu.memory_space<hbm>>
    %dma_wait3A_34 = arith.constant 0 : i32
    %dma_wait3A_35 = tpu.memref_slice %arg3[%dma_wait3A_29, %dma_wait3A_30, %dma_wait3A_34] : memref<26x32x100000xf32, #tpu.memory_space<hbm>> -> memref<1x1x1024xf32, #tpu.memory_space<hbm>>
    %dma_wait3A_36 = tpu.memref_squeeze %dma_wait3A_35 : memref<1x1x1024xf32, #tpu.memory_space<hbm>> -> memref<1024xf32, #tpu.memory_space<hbm>>
    tpu.wait_dma2 semaphore(%arg18 : memref<!tpu.dma_semaphore, #tpu.memory_space<semaphore_mem>>) src(%dma_wait3A_36 : memref<1024xf32, #tpu.memory_space<hbm>>) dst(%arg10 : memref<1024xf32, #tpu.memory_space<vmem>>)
    %dma_wait3A_37 = arith.constant 0 : i32
    %dma_wait3A_38 = arith.constant 0 : i32
    %dma_wait3A_39 = arith.constant 0 : i32
    %dma_wait3A_40 = tpu.memref_slice %arg3[%dma_wait3A_37, %dma_wait3A_38, %dma_wait3A_39] : memref<26x32x100000xf32, #tpu.memory_space<hbm>> -> memref<1x1x1024xf32, #tpu.memory_space<hbm>>
    %dma_wait3A_41 = tpu.memref_squeeze %dma_wait3A_40 : memref<1x1x1024xf32, #tpu.memory_space<hbm>> -> memref<1024xf32, #tpu.memory_space<hbm>>
    %dma_wait3A_42 = arith.constant 0 : i32
    %dma_wait3A_43 = tpu.memref_slice %arg3[%dma_wait3A_37, %dma_wait3A_38, %dma_wait3A_42] : memref<26x32x100000xf32, #tpu.memory_space<hbm>> -> memref<1x1x1024xf32, #tpu.memory_space<hbm>>
    %dma_wait3A_44 = tpu.memref_squeeze %dma_wait3A_43 : memref<1x1x1024xf32, #tpu.memory_space<hbm>> -> memref<1024xf32, #tpu.memory_space<hbm>>
    tpu.wait_dma2 semaphore(%arg19 : memref<!tpu.dma_semaphore, #tpu.memory_space<semaphore_mem>>) src(%dma_wait3A_44 : memref<1024xf32, #tpu.memory_space<hbm>>) dst(%arg11 : memref<1024xf32, #tpu.memory_space<vmem>>)
    %dma_wait3A_45 = arith.constant 0 : i32
    %dma_wait3A_46 = arith.constant 0 : i32
    %dma_wait3A_47 = arith.constant 0 : i32
    %dma_wait3A_48 = tpu.memref_slice %arg3[%dma_wait3A_45, %dma_wait3A_46, %dma_wait3A_47] : memref<26x32x100000xf32, #tpu.memory_space<hbm>> -> memref<1x1x1024xf32, #tpu.memory_space<hbm>>
    %dma_wait3A_49 = tpu.memref_squeeze %dma_wait3A_48 : memref<1x1x1024xf32, #tpu.memory_space<hbm>> -> memref<1024xf32, #tpu.memory_space<hbm>>
    %dma_wait3A_50 = arith.constant 0 : i32
    %dma_wait3A_51 = tpu.memref_slice %arg3[%dma_wait3A_45, %dma_wait3A_46, %dma_wait3A_50] : memref<26x32x100000xf32, #tpu.memory_space<hbm>> -> memref<1x1x1024xf32, #tpu.memory_space<hbm>>
    %dma_wait3A_52 = tpu.memref_squeeze %dma_wait3A_51 : memref<1x1x1024xf32, #tpu.memory_space<hbm>> -> memref<1024xf32, #tpu.memory_space<hbm>>
    tpu.wait_dma2 semaphore(%arg20 : memref<!tpu.dma_semaphore, #tpu.memory_space<semaphore_mem>>) src(%dma_wait3A_52 : memref<1024xf32, #tpu.memory_space<hbm>>) dst(%arg12 : memref<1024xf32, #tpu.memory_space<vmem>>)
    return
  }
}

</mosaic_0001>

<sc_bundles>
// kernel: kernel.3.cloned.1.call-start
scs
__scs_entry_jumppad:
0x0: {  	(pc) =	sbr.rel $0x88, $3  }
0x1: {  	(tag) =	ssettag $0x0;
	lr =	simm.s32 $0x1  }
0x2: {  	[smem:$0x3F9F] =	sst lr;
	_ =	strace $0xD0000000  }
0x3: {  	_ = 	snop  }
0x4: {  	_ = 	snop  }
0x5: {  	_ = 	snop  }
0x6: {  	_ = 	snop  }
0x7: {  	_ = 	snop  }
__scs_overlays_trampoline_lowered:
0x8: {  	[smem:$0x3FAE] =	sst s0  }
0x9: {  	[smem:$0x3FAF] =	sst s1  }
0xa: {  	[smem:$0x3FB0] =	sst s2  }
0xb: {  	[smem:$0x3FB1] =	sst s3  }
0xc: {  	[smem:$0x3FB2] =	sst s4  }
0xd: {  	[smem:$0x3FB3] =	sst s5  }
0xe: {  	[smem:$0x3FB4] =	sst s6  }
0xf: {  	[smem:$0x3FB5] =	sst s7  }
0x10: {  	[smem:$0x3FB6] =	sst s8  }
0x11: {  	[smem:$0x3FB7] =	sst s9;
	s0 =	simm.s32 @!p0 $0x0  }
0x12: {  	s1 =	sld [smem:$0x3F9D];
	s0 =	simm.s32 @p0 $0x1  }
0x13: {  	[smem:$0x3FB8] =	sst s0;
	s0 =	simm.s32 @!p1 $0x0  }
0x14: {  	s2 =	sld [smem:$0x3F9C];
	s0 =	simm.s32 @p1 $0x1  }
0x15: {  	[smem:$0x3FB9] =	sst s0;
	s0 =	simm.s32 @!p2 $0x0  }
0x16: {  	s3 =	sld [smem:$0x3FDB];
	s0 =	simm.s32 @p2 $0x1  }
0x17: {  	s4 =	simm.s32 $0x1BF5;
	[smem:$0x3FBB] =	sst s0  }
0x18: {  	s0 =	sld [smem:$0x3F9E];
	_ =	swait.ge [sflag:s4], $0x0  }
0x19: {  	s7 =	sld [smem:$0x3F9F]  }
0x1a: {  	s8 =	sadd.s32 $0xFFFFE003, lr  }
0x1b: {  	s9 =	sadd.s32 $0xFFFFFEF7, lr;
	s5 =	simm.s32 $0xFFFFFFFF;
	p2 =	slt.u32 s8, $0xFFFFF086  }
0x1c: {  	p1 =	slt.u32 s9, $0xF7A;
	s5 =	simm.s32 @!p2 $0x0  }
0x1d: {  	s5 =	simm.s32 @p1 $0x1;
	p0 =	seq.s32 s7, s2  }
0x1e: {  	s7 =	smul.u32 @!p0 $0xF7A, s2;
	p2 =	seq.s32 @!p0 s5, $0x0  }
0x1f: {  	s9 =	smul.u32 $0xF7A, s1;
	s8 =	simm.s32 @!p0 $0x1BF5;
	p2 =	por !p2, p0  }
0x20: {  	[sflag:s8] =	ssyncset.s32 @!p0 $0xFFFFF086;
	s6 =	sadd.s32 @!p0 s3, s7;
	s7 =	simm.s32 @!p0 $0x108  }
0x21: {  	s3 =	sadd.s32 s3, s9;
	s6 =	sadd.s32 @!p0 $0x88, s6;
	s7 =	simm.s32 @p2 $0x1082  }
0x22: {  	[simem:s7], [sflag:s8] =	dma.local @!p0 [hbm:s6], $0xF7A  }
0x23: {  	s9 =	sor.u32 $0xD0000000, s2;
	s6 =	simm.s32 $0x108;
	_ =	swait.ge @!p0 [sflag:s8], $0x0  }
0x24: {  	s3 =	sadd.s32 $0x88, s3;
	s6 =	simm.s32 @!p1 $0x1082;
	[sflag:s4] =	ssyncset.s32 $0xFFFFF086  }
0x25: {  	[simem:s6], [sflag:s4] =	dma.local [hbm:s3], $0xF7A  }
0x26: {  	[smem:$0x3F9F] =	sst s1;
	(tag) =	ssettag s2;
	_ =	strace s9  }
0x27: {  	s1 =	sld [smem:$0x3FAF]  }
0x28: {  	s2 =	sld [smem:$0x3FB0]  }
0x29: {  	s4 =	sld [smem:$0x3FB2]  }
0x2a: {  	p0 =	seq.s32 s5, $0x0;
	s5 =	sld [smem:$0x3FB3]  }
0x2b: {  	s6 =	sld [smem:$0x3FB4]  }
0x2c: {  	s7 =	sld [smem:$0x3FB5]  }
0x2d: {  	s3 =	simm.s32 $0x108;
	s8 =	sld [smem:$0x3FB6]  }
0x2e: {  	s3 =	simm.s32 @!p0 $0x1082;
	s9 =	sld [smem:$0x3FB7]  }
0x2f: {  	lr =	sadd.s32 s0, s3;
	s0 =	sld [smem:$0x3FAE]  }
0x30: {  	s3 =	sld [smem:$0x3FB1]  }
0x31: {  	[smem:$0x3FBA] =	sst s10  }
0x32: {  	s10 =	sld [smem:$0x3FB8];
	_ =	sdelay $0x3  }
0x33: {  	p0 =	seq.s32 s10, $0x1;
	s10 =	sld [smem:$0x3FBA];
	_ =	sdelay $0x3  }
0x34: {  	[smem:$0x3FBA] =	sst s10  }
0x35: {  	s10 =	sld [smem:$0x3FB9];
	_ =	sdelay $0x3  }
0x36: {  	p1 =	seq.s32 s10, $0x1;
	s10 =	sld [smem:$0x3FBA];
	_ =	sdelay $0x3  }
0x37: {  	[smem:$0x3FBA] =	sst s10  }
0x38: {  	s10 =	sld [smem:$0x3FBB]  }
0x39: {  	_ = 	snop;
	(pc) =	sbr.ind lr, $3  }
0x3a: {  	_ = 	snop  }
0x3b: {  	_ = 	snop  }
0x3c: {  	p2 =	seq.s32 s10, $0x1;
	s10 =	sld [smem:$0x3FBA]  }
0x3d: {  	_ =	shalt  }
0x3e: {  	_ =	shalt  }
0x3f: {  	_ =	shalt  }
0x40: {  	_ =	shalt  }
0x41: {  	_ =	shalt  }
0x42: {  	_ =	shalt  }
0x43: {  	_ =	shalt  }
0x44: {  	_ =	shalt  }
0x45: {  	_ =	shalt  }
0x46: {  	_ =	shalt  }
0x47: {  	_ =	shalt  }
0x48: {  	_ =	shalt  }
0x49: {  	_ =	shalt  }
0x4a: {  	_ =	shalt  }
0x4b: {  	_ =	shalt  }
0x4c: {  	_ =	shalt  }
0x4d: {  	_ =	shalt  }
0x4e: {  	_ =	shalt  }
0x4f: {  	_ =	shalt  }
0x50: {  	_ =	shalt  }
0x51: {  	_ =	shalt  }
0x52: {  	_ =	shalt  }
0x53: {  	_ =	shalt  }
0x54: {  	_ =	shalt  }
0x55: {  	_ =	shalt  }
0x56: {  	_ =	shalt  }
0x57: {  	_ =	shalt  }
0x58: {  	_ =	shalt  }
0x59: {  	_ =	shalt  }
0x5a: {  	_ =	shalt  }
0x5b: {  	_ =	shalt  }
0x5c: {  	_ =	shalt  }
0x5d: {  	_ =	shalt  }
0x5e: {  	_ =	shalt  }
0x5f: {  	_ =	shalt  }
0x60: {  	_ =	shalt  }
0x61: {  	_ =	shalt  }
0x62: {  	_ =	shalt  }
0x63: {  	_ =	shalt  }
0x64: {  	_ =	shalt  }
0x65: {  	_ =	shalt  }
0x66: {  	_ =	shalt  }
0x67: {  	_ =	shalt  }
0x68: {  	_ =	shalt  }
0x69: {  	_ =	shalt  }
0x6a: {  	_ =	shalt  }
0x6b: {  	_ =	shalt  }
0x6c: {  	_ =	shalt  }
0x6d: {  	_ =	shalt  }
0x6e: {  	_ =	shalt  }
0x6f: {  	_ =	shalt  }
0x70: {  	_ =	shalt  }
0x71: {  	_ =	shalt  }
0x72: {  	_ =	shalt  }
0x73: {  	_ =	shalt  }
0x74: {  	_ =	shalt  }
0x75: {  	_ =	shalt  }
0x76: {  	_ =	shalt  }
0x77: {  	_ =	shalt  }
0x78: {  	_ =	shalt  }
0x79: {  	_ =	shalt  }
0x7a: {  	_ =	shalt  }
0x7b: {  	_ =	shalt  }
0x7c: {  	_ =	shalt  }
0x7d: {  	_ =	shalt  }
0x7e: {  	_ =	shalt  }
0x7f: {  	_ =	shalt  }
0x80: {  	_ =	shalt  }
0x81: {  	_ =	shalt  }
0x82: {  	_ =	shalt  }
0x83: {  	_ =	shalt  }
0x84: {  	_ =	shalt  }
0x85: {  	_ =	shalt  }
0x86: {  	_ =	shalt  }
0x87: {  	_ =	shalt  }
.Lfunc_end0:
.L_simem_size_0:
called_computation_lowered:
.L_overlay_start_0:
0x88: {  	s2 =	sld [smem:$0x3FD9]  }
0x89: {  	s3 =	sld [smem:$0x3FFE];
	_ =	sdelay $0x1  }
0x8a: {  	s1 =	srdreg.scid  }
0x8b: {  	s0 =	sand.u32 $0x1, s1  }
0x8c: {  	s18 =	sshll.u32 s0, $0xA;
	s2 =	sadd.s32 s3, s2  }
0x8d: {  	s2 =	sadd.s32 s2, s18  }
0x8e: {  	[smem:$0x3FC6] =	sst s2  }
0x8f: {  	_ = 	snop  }
0x90: {  	s2 =	sld [smem:$0x3FC9]  }
0x91: {  	s19 =	sld [smem:$0x3FC8]  }
0x92: {  	s4 =	sld [smem:$0x3FD0];
	(tm) =	ssettm $0x1  }
0x93: {  	s5 =	sld [smem:$0x3FFB];
	_ =	sdelay $0x3  }
0x94: {  	_ =	strace s5  }
0x95: {  	s5 =	sld [smem:$0x3FFC];
	_ =	sdelay $0x3  }
0x96: {  	_ =	strace s5  }
0x97: {  	s5 =	sld [smem:$0x3FFD];
	_ =	sdelay $0x3  }
0x98: {  	_ =	strace s5  }
0x99: {  	_ =	strace $0x8FFFFFFF  }
0x9a: {  	s20 =	sld [smem:$0x3FDB];
	_ =	sdelay $0x1  }
0x9b: {  	s6 =	simm.s32 $_scs_section_size  }
0x9c: {  	s7 =	simm.s32 $_size__tile_overlayer_lowered;
	s8 =	simm.s32 $_tile_overlayer_lowered  }
0x9d: {  	s23 =	simm.s32 $0x1BFF;
	s22 =	sshll.u32 s8, $0x1;
	s5 =	sadd.s32 s6, s20  }
0x9e: {  	s9 =	simm.s32 $0x0;
	s21 =	sshll.u32 s7, $0x1;
	s7 =	sadd.s32 s22, s5  }
0x9f: {  	[timem:s9], [sflag:s23] =	dma.local [hbm:s7], s21  }
0xa0: {  	_ =	swait.ge [sflag:s23], s21  }
0xa1: {  	s6 =	ssub.s32 $0x0, s21;
	[sflag:s23] =	ssyncset.done $0x0  }
0xa2: {  	[sflag:s23] =	ssyncadd.s32 s6;
	_ =	sdelay $0x1  }
0xa3: {  	s24 =	simm.s32 $0x1B8B  }
0xa4: {  	_ =	swait.ge [sflag:s24], $0x1  }
0xa5: {  	[sflag:s24] =	ssyncset.done $0x0  }
0xa6: {  	s25 =	simm.s32 $0x1B8E;
	[sflag:s24] =	ssyncadd.s32 $0xFFFFFFFF  }
0xa7: {  	s26 =	simm.s32 $execute0_lowered;
	[smem:$0x3FD2] =	sst s25  }
0xa8: {  	s6 =	sshll.u32 s26, $0x1;
	_ =	strace $0x80000046;
	[dreg:$0x1] =	wrdreg $0xFFFFFFFF  }
0xa9: {  	s28 =	simm.s32 $_size_execute0_lowered;
	s5 =	sadd.s32 s5, s6;
	[dreg:$0x0] =	wrdreg $0x0  }
0xaa: {  	s6 =	sshll.u32 s28, $0x1;
	[dreg:$0x2] =	wrdreg s5  }
0xab: {  	[dreg:$0x3] =	wrdreg s6  }
0xac: {  	[dreg:$0x4] =	wrdreg $0xC0  }
0xad: {  	_ =	task [dreg:s9], $0x5FFFF  }
0xae: {  	[dreg:$0x1] =	wrdreg $0xFFFFFFFF  }
0xaf: {  	[dreg:$0x0] =	wrdreg $0x60  }
0xb0: {  	[dreg:$0x2] =	wrdreg s2  }
0xb1: {  	[dreg:$0x3] =	wrdreg s19  }
0xb2: {  	[dreg:$0x4] =	wrdreg s4  }
0xb3: {  	[dreg:$0x5] =	wrdreg $0x9  }
0xb4: {  	_ =	task.clear_ibuf [dreg:s9], $0x6FFFF;
	_ =	strace $0x90000046  }
0xb5: {  	s29 =	simm.s32 $0x9;
	_ =	strace $0x80000048  }
0xb6: {  	_ =	swait.ge [sflag:s29], $0x1  }
0xb7: {  	[sflag:s29] =	ssyncadd.s32 $0xFFFFFFFF  }
0xb8: {  	_ =	strace $0x90000048  }
0xb9: {  	_ =	sfence  }
0xba: {  	s30 =	sld [smem:$0x0];
	_ =	sdelay $0x2  }
0xbb: {  	s31 =	sshll.u32 s1, $0xD;
	s1 =	sshrl.u32 s1, $0x2  }
0xbc: {  	s3 =	sand.u32 $0x4000, s31;
	s1 =	sadd.s32 s1, s30  }
0xbd: {  	s0 =	sor.u32 s3, s0;
	s1 =	sshll.u32 s1, $0x11  }
0xbe: {  	s0 =	sor.u32 s1, s0  }
0xbf: {  	s0 =	sadd.s32 $0x8F2B, s0  }
0xc0: {  	[sflag:s0] =	ssyncadd.remote.s32 $0x1  }
0xc1: {  	_ =	sfence.sel $0xFFFF  }
0xc2: {  	[dreg:$0x0] =	wrdreg $0xFFFFFFFF;
	(pc) =	sbr.abs _section_cstart, $3  }
0xc3: {  	[dreg:$0x1] =	wrdreg $0xFFFFFFFF  }
0xc4: {  	_ =	task.clear_ibuf [dreg:s9], $0x2FFFF;
	_ =	strace $0x9FFFFFFF  }
0xc5: {  	(tm) =	ssettm $0x7FFFFFFF  }
tec
execute0_lowered:
.L_overlay_start_1:
0x0: {  	(tag) =	ssettag $0x1  }
0x1: {  	s3 =	rddreg [dreg:$0x2];
	s5 =	simm.s32 $0x0  }
0x2: {  	s0 =	srdreg.scid;
	s4 =	stileid.u32;
	s29 =	simm.s32 $0x80  }
0x3: {  	s30 =	simm.s32 $0x400;
	s31 =	simm.s32 $0x1F300;
	s8 =	simm.s32 $0x1FB00  }
0x4: {  	s9 =	simm.s32 $0x3;
	s10 =	simm.s32 $0x4;
	s11 =	simm.s32 $0x5  }
0x5: {  	[smem:$0x7FF] =	sst s5;
	s0 =	sand.u32 $0x1, s0;
	s2 =	sshrl.u32 s4, $0x2  }
0x6: {  	s4 =	sshll.u32 s4, $0x8;
	s13 =	sadd.s32 $0x1000, s3;
	s14 =	sadd.s32 $0x2000, s3  }
0x7: {  	s15 =	sadd.s32 $0x3000, s3;
	s1 =	ssub.s32 $0x2, s0;
	s0 =	sshll.u32 s0, $0x7  }
0x8: {  	s4 =	sand.u32 $0x300, s4;
	_ =	strace $0x80000047;
	[dreg:$0x5] =	wrdreg s13  }
0x9: {  	s6 =	smul.u32 $0xC3800, s2;
	s2 =	sshll.u32 s2, $0xD;
	[dreg:$0x6] =	wrdreg s14  }
0xa: {  	[dreg:$0x7] =	wrdreg s15;
	s7 =	sshrl.u32 s1, $0x1;
	s0 =	sor.u32 s0, s4  }
0xb: {  	s1 =	ssub.s32 s1, s7;
	s4 =	sor.u32 s0, s6;
	s7 =	sor.u32 s2, s0  }
0xc: {  	s12 =	simm.s32 $0x6;
	[dreg:$0x4] =	wrdreg s4;
	s16 =	sor.u32 $0x20000, s7  }
0xd: {  	s13 =	simm.s32 $0x7;
	s17 =	sor.u32 $0x28000, s7;
	[dreg:$0x8] =	wrdreg s16  }
0xe: {  	s14 =	simm.s32 $0x8;
	s18 =	sor.u32 $0x30000, s7;
	[dreg:$0x9] =	wrdreg s17  }
0xf: {  	s0 =	simm.s32 $0x2;
	s19 =	sor.u32 $0x38000, s7;
	[dreg:$0xa] =	wrdreg s18  }
0x10: {  	s2 =	simm.s32 $0x1EF00;
	s20 =	sor.u32 $0x40000, s7;
	[dreg:$0xb] =	wrdreg s19  }
0x11: {  	s6 =	simm.s32 $0x1F700;
	s21 =	sor.u32 $0x48000, s7;
	[dreg:$0xc] =	wrdreg s20  }
0x12: {  	s22 =	sor.u32 $0x50000, s7;
	s23 =	sor.u32 $0x58000, s7;
	[dreg:$0xd] =	wrdreg s21  }
0x13: {  	s24 =	sor.u32 $0x60000, s7;
	s25 =	sor.u32 $0x68000, s7;
	[dreg:$0xe] =	wrdreg s22  }
0x14: {  	s26 =	smax.u32 s1, $0x1;
	s28 =	sor.u32 $0x98000, s7;
	[dreg:$0xf] =	wrdreg s23  }
0x15: {  	s4 =	simm.s32 $0x1;
	s1 =	simm.s32 $0x1EB00;
	[dreg:$0x10] =	wrdreg s24  }
0x16: {  	[dreg:$0x11] =	wrdreg s25;
	s21 =	sor.u32 $0x70000, s7;
	s22 =	sor.u32 $0x78000, s7  }
0x17: {  	s23 =	sor.u32 $0x80000, s7;
	s24 =	sor.u32 $0x88000, s7;
	[dreg:$0x12] =	wrdreg s26  }
0x18: {  	s26 =	sor.u32 $0x90000, s7;
	s25 =	simm.s32 $0x1E700;
	s16 =	simm.s32 $0x0  }
.LBB2_1:
0x19: {  	[dreg:$0x13] =	wrdreg s16;
	s15 =	simm.s32 $0x0  }
.LBB2_2:
0x1a: {  	s16 =	smul.u32 $0x30E000, s15  }
0x1b: {  	s17 =	rddreg [dreg:$0x4]  }
0x1c: {  	s16 =	sadd.s32 s17, s16  }
0x1d: {  	s19 =	rddreg [dreg:$0x1];
	s16 =	sshrl.u32 s16, $0x3  }
0x1e: {  	s20 =	smul.u32 $0xC00, s15;
	s18 =	rddreg [dreg:$0x0];
	s16 =	sadd.s32 s19, s16  }
0x1f: {  	[tilespmem:s5], [sflag:$0x1] =	stream.strided.gather [hbm4b:s16+s29], $0x18700, s30, s29, $0x38;
	[tilespmem:$0x1FF00] =	vst v63  }
0x20: {  	s19 =	simm.s32 $0x18700;
	s16 =	sadd.s32 s18, s20  }
0x21: {  	[tilespmem:s19], [sflag:$0x2] =	stream.linear.gather [hbm4b:s16+s5], $0x6000, $0x38;
	[tilespmem:$0x1FF00] =	vst v63  }
0x22: {  	_ =	swait.ge [sflag:s0], $0x6000  }
0x23: {  	[sflag:s0] =	ssyncset.done $0x0  }
0x24: {  	[sflag:s0] =	ssyncadd.s32 $0xFFFFA000  }
0x25: {  	_ =	swait.ge [sflag:s4], $0x18700  }
0x26: {  	p0 =	seq.s32 s15, $0x0;
	[sflag:s4] =	ssyncset.done $0x0  }
0x27: {  	s16 =	simm.s32 @!p0 $0x3;
	[sflag:s4] =	ssyncadd.s32 $0xFFFE7900  }
0x28: {  	_ =	swait.ge @!p0 [sflag:s16], $0x400  }
0x29: {  	[sflag:s16] =	ssyncset.done @!p0 $0x0  }
0x2a: {  	s20 =	simm.s32 $0x18740;
	[sflag:s16] =	ssyncadd.s32 @!p0 $0xFFFFFC00  }
0x2b: {  	v0 =	vld [tilespmem:s20+$0x30]  }
0x2c: {  	v1 =	vld [tilespmem:s20+$0xFFFFFFD0]  }
0x2d: {  	v2 =	vld [tilespmem:s20+$0xFFFFFFE0]  }
0x2e: {  	v3 =	vld [tilespmem:s20+$0xFFFFFFF0]  }
0x2f: {  	v6 =	vld [tilespmem:s20+$0x0]  }
0x30: {  	v7 =	vld [tilespmem:s20+$0x10]  }
0x31: {  	v8 =	vld [tilespmem:s20+$0x20]  }
0x32: {  	v9 =	vld [tilespmem:s20+$0xFFFFFFC0]  }
0x33: {  	v10 =	vld.idx.msk [tilespmem:v0+s5+$0x0], $0xffff  }
0x34: {  	v11 =	vld.idx.msk [tilespmem:v1+s5+$0x0], $0xffff  }
0x35: {  	v5 =	vld.idx.msk [tilespmem:v2+s5+$0x0], $0xffff  }
0x36: {  	v4 =	vld.idx.msk [tilespmem:v3+s5+$0x0], $0xffff  }
0x37: {  	v1 =	vld.idx.msk [tilespmem:v6+s5+$0x0], $0xffff  }
0x38: {  	s18 =	simm.s32 $0x1E740;
	v2 =	vld.idx.msk [tilespmem:v7+s5+$0x0], $0xffff  }
0x39: {  	v0 =	vld.idx.msk [tilespmem:v8+s5+$0x0], $0xffff;
	[tilespmem:s18+$0x30] =	vst v10  }
0x3a: {  	s17 =	simm.s32 $0x18B40;
	s16 =	simm.s32 $0x0;
	v3 =	vld.idx.msk [tilespmem:v9+s5+$0x0], $0xffff;
	[tilespmem:s18+$0xFFFFFFD0] =	vst v11  }
.LBB2_3:
0x3b: {  	v6 =	vld [tilespmem:s17+$0x30];
	s16 =	sadd.s32 $0x8, s16;
	[tilespmem:s18+$0xFFFFFFE0] =	vst v5  }
0x3c: {  	v5 =	vld [tilespmem:s17+$0xFFFFFFD0];
	p1 =	slt.u32 s16, $0x38;
	[tilespmem:s18+$0xFFFFFFF0] =	vst v4  }
0x3d: {  	v4 =	vld [tilespmem:s17+$0xFFFFFFE0];
	[tilespmem:s18+$0x0] =	vst v1  }
0x3e: {  	v1 =	vld [tilespmem:s17+$0xFFFFFFF0];
	[tilespmem:s18+$0x10] =	vst v2  }
0x3f: {  	v2 =	vld [tilespmem:s17+$0x0];
	[tilespmem:s18+$0x20] =	vst v0  }
0x40: {  	v0 =	vld [tilespmem:s17+$0x10];
	[tilespmem:s18+$0xFFFFFFC0] =	vst v3  }
0x41: {  	v3 =	vld [tilespmem:s17+$0x20]  }
0x42: {  	v7 =	vld [tilespmem:s17+$0xFFFFFFC0]  }
0x43: {  	v6 =	vld.idx.msk [tilespmem:v6+s5+$0x0], $0xffff  }
0x44: {  	v8 =	vld.idx.msk [tilespmem:v5+s5+$0x0], $0xffff  }
0x45: {  	v5 =	vld.idx.msk [tilespmem:v4+s5+$0x0], $0xffff  }
.Ltmp0:
0x46: {  	v4 =	vld.idx.msk [tilespmem:v1+s5+$0x0], $0xffff;
	(pc) =	sbr.rel @p1 .LBB2_3-.Ltmp0, $4  }
0x47: {  	v1 =	vld.idx.msk [tilespmem:v2+s5+$0x0], $0xffff  }
0x48: {  	s18 =	sadd.s32 $0x80, s18;
	v2 =	vld.idx.msk [tilespmem:v0+s5+$0x0], $0xffff  }
0x49: {  	v0 =	vld.idx.msk [tilespmem:v3+s5+$0x0], $0xffff;
	[tilespmem:s18+$0x30] =	vst v6  }
0x4a: {  	s17 =	sadd.s32 $0x400, s17;
	v3 =	vld.idx.msk [tilespmem:v7+s5+$0x0], $0xffff;
	[tilespmem:s18+$0xFFFFFFD0] =	vst v8  }
0x4b: {  	[tilespmem:s18+$0xFFFFFFE0] =	vst v5  }
0x4c: {  	[tilespmem:s18+$0xFFFFFFF0] =	vst v4;
	s16 =	smul.u32 $0xA0000, s15  }
0x4d: {  	[tilespmem:s18+$0x0] =	vst v1  }
0x4e: {  	[tilespmem:s18+$0x10] =	vst v2;
	s17 =	sor.u32 s16, s7  }
0x4f: {  	[tilespmem:s18+$0x20] =	vst v0;
	s17 =	sshrl.u32 s17, $0x3  }
0x50: {  	[tilespmem:s18+$0xFFFFFFC0] =	vst v3;
	s19 =	sadd.s32 s3, s17;
	s18 =	simm.s32 @!p0 $0x4  }
0x51: {  	[hbm4b:s19+s29] =	stream.strided.scatter [tilespmem:s25], [sflag:$0x3], $0x400, s30, s29, $0x38;
	[tilespmem:$0x1FF00] =	vst v63  }
0x52: {  	_ =	swait.ge @!p0 [sflag:s18], $0x400  }
0x53: {  	[sflag:s18] =	ssyncset.done @!p0 $0x0  }
0x54: {  	s20 =	simm.s32 $0x187F0;
	[sflag:s18] =	ssyncadd.s32 @!p0 $0xFFFFFC00  }
0x55: {  	v0 =	vld [tilespmem:s20+$0x0]  }
0x56: {  	v1 =	vld [tilespmem:s20+$0xFFFFFFA0]  }
0x57: {  	v2 =	vld [tilespmem:s20+$0xFFFFFFB0]  }
0x58: {  	v3 =	vld [tilespmem:s20+$0xFFFFFFC0]  }
0x59: {  	v4 =	vld [tilespmem:s20+$0xFFFFFFD0]  }
0x5a: {  	v6 =	vld [tilespmem:s20+$0xFFFFFFE0]  }
0x5b: {  	v7 =	vld [tilespmem:s20+$0xFFFFFFF0]  }
0x5c: {  	v8 =	vld [tilespmem:s20+$0xFFFFFF90]  }
0x5d: {  	v9 =	vld.idx.msk [tilespmem:v0+s5+$0x0], $0xffff  }
0x5e: {  	v10 =	vld.idx.msk [tilespmem:v1+s5+$0x0], $0xffff  }
0x5f: {  	v5 =	vld.idx.msk [tilespmem:v2+s5+$0x0], $0xffff  }
0x60: {  	v3 =	vld.idx.msk [tilespmem:v3+s5+$0x0], $0xffff  }
0x61: {  	v0 =	vld.idx.msk [tilespmem:v4+s5+$0x0], $0xffff  }
0x62: {  	s18 =	simm.s32 $0x1EB40;
	v1 =	vld.idx.msk [tilespmem:v6+s5+$0x0], $0xffff  }
0x63: {  	v2 =	vld.idx.msk [tilespmem:v7+s5+$0x0], $0xffff;
	[tilespmem:s18+$0x30] =	vst v9  }
0x64: {  	s19 =	simm.s32 $0x0;
	s20 =	simm.s32 $0x18BF0;
	v4 =	vld.idx.msk [tilespmem:v8+s5+$0x0], $0xffff;
	[tilespmem:s18+$0xFFFFFFD0] =	vst v10  }
.LBB2_5:
0x65: {  	v6 =	vld [tilespmem:s20+$0x0];
	s19 =	sadd.s32 $0x8, s19;
	[tilespmem:s18+$0xFFFFFFE0] =	vst v5  }
0x66: {  	v5 =	vld [tilespmem:s20+$0xFFFFFFA0];
	p1 =	slt.u32 s19, $0x38;
	[tilespmem:s18+$0xFFFFFFF0] =	vst v3  }
0x67: {  	v3 =	vld [tilespmem:s20+$0xFFFFFFB0];
	[tilespmem:s18+$0x0] =	vst v0  }
0x68: {  	v0 =	vld [tilespmem:s20+$0xFFFFFFC0];
	[tilespmem:s18+$0x10] =	vst v1  }
0x69: {  	v1 =	vld [tilespmem:s20+$0xFFFFFFD0];
	[tilespmem:s18+$0x20] =	vst v2  }
0x6a: {  	v2 =	vld [tilespmem:s20+$0xFFFFFFE0];
	[tilespmem:s18+$0xFFFFFFC0] =	vst v4  }
0x6b: {  	v4 =	vld [tilespmem:s20+$0xFFFFFFF0]  }
0x6c: {  	v7 =	vld [tilespmem:s20+$0xFFFFFF90]  }
0x6d: {  	v6 =	vld.idx.msk [tilespmem:v6+s5+$0x0], $0xffff  }
0x6e: {  	v8 =	vld.idx.msk [tilespmem:v5+s5+$0x0], $0xffff  }
0x6f: {  	v5 =	vld.idx.msk [tilespmem:v3+s5+$0x0], $0xffff  }
.Ltmp1:
0x70: {  	v3 =	vld.idx.msk [tilespmem:v0+s5+$0x0], $0xffff;
	(pc) =	sbr.rel @p1 .LBB2_5-.Ltmp1, $4  }
0x71: {  	v0 =	vld.idx.msk [tilespmem:v1+s5+$0x0], $0xffff  }
0x72: {  	s18 =	sadd.s32 $0x80, s18;
	v1 =	vld.idx.msk [tilespmem:v2+s5+$0x0], $0xffff  }
0x73: {  	v2 =	vld.idx.msk [tilespmem:v4+s5+$0x0], $0xffff;
	[tilespmem:s18+$0x30] =	vst v6  }
0x74: {  	s20 =	sadd.s32 $0x400, s20;
	v4 =	vld.idx.msk [tilespmem:v7+s5+$0x0], $0xffff;
	[tilespmem:s18+$0xFFFFFFD0] =	vst v8  }
0x75: {  	[tilespmem:s18+$0xFFFFFFE0] =	vst v5  }
0x76: {  	[tilespmem:s18+$0xFFFFFFF0] =	vst v3  }
0x77: {  	[tilespmem:s18+$0x0] =	vst v0  }
0x78: {  	[tilespmem:s18+$0x10] =	vst v1  }
0x79: {  	[tilespmem:s18+$0x20] =	vst v2  }
0x7a: {  	[tilespmem:s18+$0xFFFFFFC0] =	vst v4  }
0x7b: {  	s18 =	rddreg [dreg:$0x5]  }
0x7c: {  	s18 =	sadd.s32 s17, s18  }
0x7d: {  	[hbm4b:s18+s29] =	stream.strided.scatter [tilespmem:s1], [sflag:$0x4], $0x400, s30, s29, $0x38;
	[tilespmem:$0x1FF00] =	vst v63  }
0x7e: {  	s18 =	simm.s32 @!p0 $0x5  }
0x7f: {  	_ =	swait.ge @!p0 [sflag:s18], $0x400  }
0x80: {  	[sflag:s18] =	ssyncset.done @!p0 $0x0  }
0x81: {  	s20 =	simm.s32 $0x18870;
	[sflag:s18] =	ssyncadd.s32 @!p0 $0xFFFFFC00  }
0x82: {  	v0 =	vld [tilespmem:s20+$0x0]  }
0x83: {  	v1 =	vld [tilespmem:s20+$0xFFFFFFA0]  }
0x84: {  	v2 =	vld [tilespmem:s20+$0xFFFFFFB0]  }
0x85: {  	v3 =	vld [tilespmem:s20+$0xFFFFFFC0]  }
0x86: {  	v4 =	vld [tilespmem:s20+$0xFFFFFFD0]  }
0x87: {  	v6 =	vld [tilespmem:s20+$0xFFFFFFE0]  }
0x88: {  	v7 =	vld [tilespmem:s20+$0xFFFFFFF0]  }
0x89: {  	v8 =	vld [tilespmem:s20+$0xFFFFFF90]  }
0x8a: {  	v9 =	vld.idx.msk [tilespmem:v0+s5+$0x0], $0xffff  }
0x8b: {  	v10 =	vld.idx.msk [tilespmem:v1+s5+$0x0], $0xffff  }
0x8c: {  	v5 =	vld.idx.msk [tilespmem:v2+s5+$0x0], $0xffff  }
0x8d: {  	v3 =	vld.idx.msk [tilespmem:v3+s5+$0x0], $0xffff  }
0x8e: {  	v0 =	vld.idx.msk [tilespmem:v4+s5+$0x0], $0xffff  }
0x8f: {  	s18 =	simm.s32 $0x1EF40;
	v1 =	vld.idx.msk [tilespmem:v6+s5+$0x0], $0xffff  }
0x90: {  	v2 =	vld.idx.msk [tilespmem:v7+s5+$0x0], $0xffff;
	[tilespmem:s18+$0x30] =	vst v9  }
0x91: {  	s19 =	simm.s32 $0x0;
	s20 =	simm.s32 $0x18C70;
	v4 =	vld.idx.msk [tilespmem:v8+s5+$0x0], $0xffff;
	[tilespmem:s18+$0xFFFFFFD0] =	vst v10  }
.LBB2_7:
0x92: {  	v6 =	vld [tilespmem:s20+$0x0];
	s19 =	sadd.s32 $0x8, s19;
	[tilespmem:s18+$0xFFFFFFE0] =	vst v5  }
0x93: {  	v5 =	vld [tilespmem:s20+$0xFFFFFFA0];
	p1 =	slt.u32 s19, $0x38;
	[tilespmem:s18+$0xFFFFFFF0] =	vst v3  }
0x94: {  	v3 =	vld [tilespmem:s20+$0xFFFFFFB0];
	[tilespmem:s18+$0x0] =	vst v0  }
0x95: {  	v0 =	vld [tilespmem:s20+$0xFFFFFFC0];
	[tilespmem:s18+$0x10] =	vst v1  }
0x96: {  	v1 =	vld [tilespmem:s20+$0xFFFFFFD0];
	[tilespmem:s18+$0x20] =	vst v2  }
0x97: {  	v2 =	vld [tilespmem:s20+$0xFFFFFFE0];
	[tilespmem:s18+$0xFFFFFFC0] =	vst v4  }
0x98: {  	v4 =	vld [tilespmem:s20+$0xFFFFFFF0]  }
0x99: {  	v7 =	vld [tilespmem:s20+$0xFFFFFF90]  }
0x9a: {  	v6 =	vld.idx.msk [tilespmem:v6+s5+$0x0], $0xffff  }
0x9b: {  	v8 =	vld.idx.msk [tilespmem:v5+s5+$0x0], $0xffff  }
0x9c: {  	v5 =	vld.idx.msk [tilespmem:v3+s5+$0x0], $0xffff  }
.Ltmp2:
0x9d: {  	v3 =	vld.idx.msk [tilespmem:v0+s5+$0x0], $0xffff;
	(pc) =	sbr.rel @p1 .LBB2_7-.Ltmp2, $4  }
0x9e: {  	v0 =	vld.idx.msk [tilespmem:v1+s5+$0x0], $0xffff  }
0x9f: {  	s18 =	sadd.s32 $0x80, s18;
	v1 =	vld.idx.msk [tilespmem:v2+s5+$0x0], $0xffff  }
0xa0: {  	v2 =	vld.idx.msk [tilespmem:v4+s5+$0x0], $0xffff;
	[tilespmem:s18+$0x30] =	vst v6  }
0xa1: {  	s20 =	sadd.s32 $0x400, s20;
	v4 =	vld.idx.msk [tilespmem:v7+s5+$0x0], $0xffff;
	[tilespmem:s18+$0xFFFFFFD0] =	vst v8  }
0xa2: {  	[tilespmem:s18+$0xFFFFFFE0] =	vst v5  }
0xa3: {  	[tilespmem:s18+$0xFFFFFFF0] =	vst v3  }
0xa4: {  	[tilespmem:s18+$0x0] =	vst v0  }
0xa5: {  	[tilespmem:s18+$0x10] =	vst v1  }
0xa6: {  	[tilespmem:s18+$0x20] =	vst v2  }
0xa7: {  	[tilespmem:s18+$0xFFFFFFC0] =	vst v4  }
0xa8: {  	s18 =	rddreg [dreg:$0x6]  }
0xa9: {  	s18 =	sadd.s32 s17, s18  }
0xaa: {  	[hbm4b:s18+s29] =	stream.strided.scatter [tilespmem:s2], [sflag:$0x5], $0x400, s30, s29, $0x38;
	[tilespmem:$0x1FF00] =	vst v63  }
0xab: {  	s18 =	simm.s32 @!p0 $0x6  }
0xac: {  	_ =	swait.ge @!p0 [sflag:s18], $0x400  }
0xad: {  	[sflag:s18] =	ssyncset.done @!p0 $0x0  }
0xae: {  	s20 =	simm.s32 $0x188F0;
	[sflag:s18] =	ssyncadd.s32 @!p0 $0xFFFFFC00  }
0xaf: {  	v0 =	vld [tilespmem:s20+$0x0]  }
0xb0: {  	v1 =	vld [tilespmem:s20+$0xFFFFFFA0]  }
0xb1: {  	v2 =	vld [tilespmem:s20+$0xFFFFFFB0]  }
0xb2: {  	v3 =	vld [tilespmem:s20+$0xFFFFFFC0]  }
0xb3: {  	v4 =	vld [tilespmem:s20+$0xFFFFFFD0]  }
0xb4: {  	v6 =	vld [tilespmem:s20+$0xFFFFFFE0]  }
0xb5: {  	v7 =	vld [tilespmem:s20+$0xFFFFFFF0]  }
0xb6: {  	v8 =	vld [tilespmem:s20+$0xFFFFFF90]  }
0xb7: {  	v9 =	vld.idx.msk [tilespmem:v0+s5+$0x0], $0xffff  }
0xb8: {  	v10 =	vld.idx.msk [tilespmem:v1+s5+$0x0], $0xffff  }
0xb9: {  	v5 =	vld.idx.msk [tilespmem:v2+s5+$0x0], $0xffff  }
0xba: {  	v3 =	vld.idx.msk [tilespmem:v3+s5+$0x0], $0xffff  }
0xbb: {  	v0 =	vld.idx.msk [tilespmem:v4+s5+$0x0], $0xffff  }
0xbc: {  	s18 =	simm.s32 $0x1F340;
	v1 =	vld.idx.msk [tilespmem:v6+s5+$0x0], $0xffff  }
0xbd: {  	v2 =	vld.idx.msk [tilespmem:v7+s5+$0x0], $0xffff;
	[tilespmem:s18+$0x30] =	vst v9  }
0xbe: {  	s19 =	simm.s32 $0x0;
	s20 =	simm.s32 $0x18CF0;
	v4 =	vld.idx.msk [tilespmem:v8+s5+$0x0], $0xffff;
	[tilespmem:s18+$0xFFFFFFD0] =	vst v10  }
.LBB2_9:
0xbf: {  	v6 =	vld [tilespmem:s20+$0x0];
	s19 =	sadd.s32 $0x8, s19;
	[tilespmem:s18+$0xFFFFFFE0] =	vst v5  }
0xc0: {  	v5 =	vld [tilespmem:s20+$0xFFFFFFA0];
	p1 =	slt.u32 s19, $0x38;
	[tilespmem:s18+$0xFFFFFFF0] =	vst v3  }
0xc1: {  	v3 =	vld [tilespmem:s20+$0xFFFFFFB0];
	[tilespmem:s18+$0x0] =	vst v0  }
0xc2: {  	v0 =	vld [tilespmem:s20+$0xFFFFFFC0];
	[tilespmem:s18+$0x10] =	vst v1  }
0xc3: {  	v1 =	vld [tilespmem:s20+$0xFFFFFFD0];
	[tilespmem:s18+$0x20] =	vst v2  }
0xc4: {  	v2 =	vld [tilespmem:s20+$0xFFFFFFE0];
	[tilespmem:s18+$0xFFFFFFC0] =	vst v4  }
0xc5: {  	v4 =	vld [tilespmem:s20+$0xFFFFFFF0]  }
0xc6: {  	v7 =	vld [tilespmem:s20+$0xFFFFFF90]  }
0xc7: {  	v6 =	vld.idx.msk [tilespmem:v6+s5+$0x0], $0xffff  }
0xc8: {  	v8 =	vld.idx.msk [tilespmem:v5+s5+$0x0], $0xffff  }
0xc9: {  	v5 =	vld.idx.msk [tilespmem:v3+s5+$0x0], $0xffff  }
.Ltmp3:
0xca: {  	v3 =	vld.idx.msk [tilespmem:v0+s5+$0x0], $0xffff;
	(pc) =	sbr.rel @p1 .LBB2_9-.Ltmp3, $4  }
0xcb: {  	v0 =	vld.idx.msk [tilespmem:v1+s5+$0x0], $0xffff  }
0xcc: {  	s18 =	sadd.s32 $0x80, s18;
	v1 =	vld.idx.msk [tilespmem:v2+s5+$0x0], $0xffff  }
0xcd: {  	v2 =	vld.idx.msk [tilespmem:v4+s5+$0x0], $0xffff;
	[tilespmem:s18+$0x30] =	vst v6  }
0xce: {  	s20 =	sadd.s32 $0x400, s20;
	v4 =	vld.idx.msk [tilespmem:v7+s5+$0x0], $0xffff;
	[tilespmem:s18+$0xFFFFFFD0] =	vst v8  }
0xcf: {  	[tilespmem:s18+$0xFFFFFFE0] =	vst v5  }
0xd0: {  	[tilespmem:s18+$0xFFFFFFF0] =	vst v3  }
0xd1: {  	[tilespmem:s18+$0x0] =	vst v0  }
0xd2: {  	[tilespmem:s18+$0x10] =	vst v1  }
0xd3: {  	[tilespmem:s18+$0x20] =	vst v2  }
0xd4: {  	[tilespmem:s18+$0xFFFFFFC0] =	vst v4  }
0xd5: {  	s18 =	rddreg [dreg:$0x7]  }
0xd6: {  	s17 =	sadd.s32 s17, s18  }
0xd7: {  	[hbm4b:s17+s29] =	stream.strided.scatter [tilespmem:s31], [sflag:$0x6], $0x400, s30, s29, $0x38;
	[tilespmem:$0x1FF00] =	vst v63  }
0xd8: {  	s17 =	simm.s32 @!p0 $0x7  }
0xd9: {  	_ =	swait.ge @!p0 [sflag:s17], $0x400  }
0xda: {  	[sflag:s17] =	ssyncset.done @!p0 $0x0  }
0xdb: {  	s20 =	simm.s32 $0x18970;
	[sflag:s17] =	ssyncadd.s32 @!p0 $0xFFFFFC00  }
0xdc: {  	v0 =	vld [tilespmem:s20+$0x0]  }
0xdd: {  	v1 =	vld [tilespmem:s20+$0xFFFFFFA0]  }
0xde: {  	v2 =	vld [tilespmem:s20+$0xFFFFFFB0]  }
0xdf: {  	v3 =	vld [tilespmem:s20+$0xFFFFFFC0]  }
0xe0: {  	v6 =	vld [tilespmem:s20+$0xFFFFFFD0]  }
0xe1: {  	v7 =	vld [tilespmem:s20+$0xFFFFFFE0]  }
0xe2: {  	v8 =	vld [tilespmem:s20+$0xFFFFFFF0]  }
0xe3: {  	v9 =	vld [tilespmem:s20+$0xFFFFFF90]  }
0xe4: {  	v10 =	vld.idx.msk [tilespmem:v0+s5+$0x0], $0xffff  }
0xe5: {  	v11 =	vld.idx.msk [tilespmem:v1+s5+$0x0], $0xffff  }
0xe6: {  	v5 =	vld.idx.msk [tilespmem:v2+s5+$0x0], $0xffff  }
0xe7: {  	v4 =	vld.idx.msk [tilespmem:v3+s5+$0x0], $0xffff  }
0xe8: {  	v1 =	vld.idx.msk [tilespmem:v6+s5+$0x0], $0xffff  }
0xe9: {  	s17 =	simm.s32 $0x1F740;
	v2 =	vld.idx.msk [tilespmem:v7+s5+$0x0], $0xffff  }
0xea: {  	v0 =	vld.idx.msk [tilespmem:v8+s5+$0x0], $0xffff;
	[tilespmem:s17+$0x30] =	vst v10  }
0xeb: {  	s19 =	simm.s32 $0x18D70;
	s18 =	simm.s32 $0x0;
	v3 =	vld.idx.msk [tilespmem:v9+s5+$0x0], $0xffff;
	[tilespmem:s17+$0xFFFFFFD0] =	vst v11  }
.LBB2_11:
0xec: {  	v6 =	vld [tilespmem:s19+$0x0];
	s18 =	sadd.s32 $0x8, s18;
	[tilespmem:s17+$0xFFFFFFE0] =	vst v5  }
0xed: {  	v5 =	vld [tilespmem:s19+$0xFFFFFFA0];
	p1 =	slt.u32 s18, $0x38;
	[tilespmem:s17+$0xFFFFFFF0] =	vst v4  }
0xee: {  	v4 =	vld [tilespmem:s19+$0xFFFFFFB0];
	[tilespmem:s17+$0x0] =	vst v1  }
0xef: {  	v1 =	vld [tilespmem:s19+$0xFFFFFFC0];
	[tilespmem:s17+$0x10] =	vst v2  }
0xf0: {  	v2 =	vld [tilespmem:s19+$0xFFFFFFD0];
	[tilespmem:s17+$0x20] =	vst v0  }
0xf1: {  	v0 =	vld [tilespmem:s19+$0xFFFFFFE0];
	[tilespmem:s17+$0xFFFFFFC0] =	vst v3  }
0xf2: {  	v3 =	vld [tilespmem:s19+$0xFFFFFFF0]  }
0xf3: {  	v7 =	vld [tilespmem:s19+$0xFFFFFF90]  }
0xf4: {  	v6 =	vld.idx.msk [tilespmem:v6+s5+$0x0], $0xffff  }
0xf5: {  	v8 =	vld.idx.msk [tilespmem:v5+s5+$0x0], $0xffff  }
0xf6: {  	v5 =	vld.idx.msk [tilespmem:v4+s5+$0x0], $0xffff  }
.Ltmp4:
0xf7: {  	v4 =	vld.idx.msk [tilespmem:v1+s5+$0x0], $0xffff;
	(pc) =	sbr.rel @p1 .LBB2_11-.Ltmp4, $4  }
0xf8: {  	v1 =	vld.idx.msk [tilespmem:v2+s5+$0x0], $0xffff  }
0xf9: {  	s17 =	sadd.s32 $0x80, s17;
	v2 =	vld.idx.msk [tilespmem:v0+s5+$0x0], $0xffff  }
0xfa: {  	v0 =	vld.idx.msk [tilespmem:v3+s5+$0x0], $0xffff;
	[tilespmem:s17+$0x30] =	vst v6  }
0xfb: {  	s19 =	sadd.s32 $0x400, s19;
	v3 =	vld.idx.msk [tilespmem:v7+s5+$0x0], $0xffff;
	[tilespmem:s17+$0xFFFFFFD0] =	vst v8  }
0xfc: {  	[tilespmem:s17+$0xFFFFFFE0] =	vst v5  }
0xfd: {  	[tilespmem:s17+$0xFFFFFFF0] =	vst v4  }
0xfe: {  	[tilespmem:s17+$0x0] =	vst v1  }
0xff: {  	[tilespmem:s17+$0x10] =	vst v2  }
0x100: {  	s18 =	rddreg [dreg:$0x8]  }
0x101: {  	s18 =	sadd.s32 s18, s16  }
0x102: {  	[tilespmem:s17+$0x20] =	vst v0;
	s18 =	sshrl.u32 s18, $0x3  }
0x103: {  	[tilespmem:s17+$0xFFFFFFC0] =	vst v3;
	s17 =	simm.s32 @!p0 $0x8;
	s19 =	sadd.s32 s3, s18  }
0x104: {  	[hbm4b:s19+s29] =	stream.strided.scatter [tilespmem:s6], [sflag:$0x7], $0x400, s30, s29, $0x38;
	[tilespmem:$0x1FF00] =	vst v63  }
0x105: {  	_ =	swait.ge @!p0 [sflag:s17], $0x400  }
0x106: {  	[sflag:s17] =	ssyncset.done @!p0 $0x0  }
0x107: {  	s20 =	simm.s32 $0x189F0;
	[sflag:s17] =	ssyncadd.s32 @!p0 $0xFFFFFC00  }
0x108: {  	v0 =	vld [tilespmem:s20+$0x0]  }
0x109: {  	v1 =	vld [tilespmem:s20+$0xFFFFFFA0]  }
0x10a: {  	v2 =	vld [tilespmem:s20+$0xFFFFFFB0]  }
0x10b: {  	v3 =	vld [tilespmem:s20+$0xFFFFFFC0]  }
0x10c: {  	v6 =	vld [tilespmem:s20+$0xFFFFFFD0]  }
0x10d: {  	v7 =	vld [tilespmem:s20+$0xFFFFFFE0]  }
0x10e: {  	v8 =	vld [tilespmem:s20+$0xFFFFFFF0]  }
0x10f: {  	v9 =	vld [tilespmem:s20+$0xFFFFFF90]  }
0x110: {  	v10 =	vld.idx.msk [tilespmem:v0+s5+$0x0], $0xffff  }
0x111: {  	v11 =	vld.idx.msk [tilespmem:v1+s5+$0x0], $0xffff  }
0x112: {  	v5 =	vld.idx.msk [tilespmem:v2+s5+$0x0], $0xffff  }
0x113: {  	v4 =	vld.idx.msk [tilespmem:v3+s5+$0x0], $0xffff  }
0x114: {  	v1 =	vld.idx.msk [tilespmem:v6+s5+$0x0], $0xffff  }
0x115: {  	s17 =	simm.s32 $0x1FB40;
	v2 =	vld.idx.msk [tilespmem:v7+s5+$0x0], $0xffff  }
0x116: {  	v0 =	vld.idx.msk [tilespmem:v8+s5+$0x0], $0xffff;
	[tilespmem:s17+$0x30] =	vst v10  }
0x117: {  	s18 =	simm.s32 $0x0;
	s19 =	simm.s32 $0x18DF0;
	v3 =	vld.idx.msk [tilespmem:v9+s5+$0x0], $0xffff;
	[tilespmem:s17+$0xFFFFFFD0] =	vst v11  }
.LBB2_13:
0x118: {  	v6 =	vld [tilespmem:s19+$0x0];
	s18 =	sadd.s32 $0x8, s18;
	[tilespmem:s17+$0xFFFFFFE0] =	vst v5  }
0x119: {  	v5 =	vld [tilespmem:s19+$0xFFFFFFA0];
	p0 =	slt.u32 s18, $0x38;
	[tilespmem:s17+$0xFFFFFFF0] =	vst v4  }
0x11a: {  	v4 =	vld [tilespmem:s19+$0xFFFFFFB0];
	[tilespmem:s17+$0x0] =	vst v1  }
0x11b: {  	v1 =	vld [tilespmem:s19+$0xFFFFFFC0];
	[tilespmem:s17+$0x10] =	vst v2  }
0x11c: {  	v2 =	vld [tilespmem:s19+$0xFFFFFFD0];
	[tilespmem:s17+$0x20] =	vst v0  }
0x11d: {  	v0 =	vld [tilespmem:s19+$0xFFFFFFE0];
	[tilespmem:s17+$0xFFFFFFC0] =	vst v3  }
0x11e: {  	v3 =	vld [tilespmem:s19+$0xFFFFFFF0]  }
0x11f: {  	v7 =	vld [tilespmem:s19+$0xFFFFFF90]  }
0x120: {  	v6 =	vld.idx.msk [tilespmem:v6+s5+$0x0], $0xffff  }
0x121: {  	v8 =	vld.idx.msk [tilespmem:v5+s5+$0x0], $0xffff  }
0x122: {  	v5 =	vld.idx.msk [tilespmem:v4+s5+$0x0], $0xffff  }
.Ltmp5:
0x123: {  	v4 =	vld.idx.msk [tilespmem:v1+s5+$0x0], $0xffff;
	(pc) =	sbr.rel @p0 .LBB2_13-.Ltmp5, $4  }
0x124: {  	v1 =	vld.idx.msk [tilespmem:v2+s5+$0x0], $0xffff  }
0x125: {  	s17 =	sadd.s32 $0x80, s17;
	v2 =	vld.idx.msk [tilespmem:v0+s5+$0x0], $0xffff  }
0x126: {  	v0 =	vld.idx.msk [tilespmem:v3+s5+$0x0], $0xffff;
	[tilespmem:s17+$0x30] =	vst v6  }
0x127: {  	s19 =	sadd.s32 $0x400, s19;
	v3 =	vld.idx.msk [tilespmem:v7+s5+$0x0], $0xffff;
	[tilespmem:s17+$0xFFFFFFD0] =	vst v8  }
0x128: {  	[tilespmem:s17+$0xFFFFFFE0] =	vst v5  }
0x129: {  	[tilespmem:s17+$0xFFFFFFF0] =	vst v4  }
0x12a: {  	[tilespmem:s17+$0x0] =	vst v1  }
0x12b: {  	[tilespmem:s17+$0x10] =	vst v2  }
0x12c: {  	s18 =	rddreg [dreg:$0x9]  }
0x12d: {  	s18 =	sadd.s32 s18, s16  }
0x12e: {  	[tilespmem:s17+$0x20] =	vst v0;
	s18 =	sshrl.u32 s18, $0x3  }
0x12f: {  	[tilespmem:s17+$0xFFFFFFC0] =	vst v3;
	s19 =	sadd.s32 s3, s18  }
0x130: {  	[hbm4b:s19+s29] =	stream.strided.scatter [tilespmem:s8], [sflag:$0x8], $0x400, s30, s29, $0x38;
	[tilespmem:$0x1FF00] =	vst v63  }
0x131: {  	_ =	swait.ge [sflag:s9], $0x400  }
0x132: {  	[sflag:s9] =	ssyncset.done $0x0  }
0x133: {  	s20 =	simm.s32 $0x18A70;
	[sflag:s9] =	ssyncadd.s32 $0xFFFFFC00  }
0x134: {  	v0 =	vld [tilespmem:s20+$0x0]  }
0x135: {  	v1 =	vld [tilespmem:s20+$0xFFFFFFA0]  }
0x136: {  	v2 =	vld [tilespmem:s20+$0xFFFFFFB0]  }
0x137: {  	v3 =	vld [tilespmem:s20+$0xFFFFFFC0]  }
0x138: {  	v6 =	vld [tilespmem:s20+$0xFFFFFFD0]  }
0x139: {  	v7 =	vld [tilespmem:s20+$0xFFFFFFE0]  }
0x13a: {  	v8 =	vld [tilespmem:s20+$0xFFFFFFF0]  }
0x13b: {  	v9 =	vld [tilespmem:s20+$0xFFFFFF90]  }
0x13c: {  	v10 =	vld.idx.msk [tilespmem:v0+s5+$0x0], $0xffff  }
0x13d: {  	v11 =	vld.idx.msk [tilespmem:v1+s5+$0x0], $0xffff  }
0x13e: {  	v5 =	vld.idx.msk [tilespmem:v2+s5+$0x0], $0xffff  }
0x13f: {  	v4 =	vld.idx.msk [tilespmem:v3+s5+$0x0], $0xffff  }
0x140: {  	v1 =	vld.idx.msk [tilespmem:v6+s5+$0x0], $0xffff  }
0x141: {  	s17 =	simm.s32 $0x1E740;
	v2 =	vld.idx.msk [tilespmem:v7+s5+$0x0], $0xffff  }
0x142: {  	v0 =	vld.idx.msk [tilespmem:v8+s5+$0x0], $0xffff;
	[tilespmem:s17+$0x30] =	vst v10  }
0x143: {  	s18 =	simm.s32 $0x0;
	s19 =	simm.s32 $0x18E70;
	v3 =	vld.idx.msk [tilespmem:v9+s5+$0x0], $0xffff;
	[tilespmem:s17+$0xFFFFFFD0] =	vst v11  }
.LBB2_15:
0x144: {  	v6 =	vld [tilespmem:s19+$0x0];
	s18 =	sadd.s32 $0x8, s18;
	[tilespmem:s17+$0xFFFFFFE0] =	vst v5  }
0x145: {  	v5 =	vld [tilespmem:s19+$0xFFFFFFA0];
	p0 =	slt.u32 s18, $0x38;
	[tilespmem:s17+$0xFFFFFFF0] =	vst v4  }
0x146: {  	v4 =	vld [tilespmem:s19+$0xFFFFFFB0];
	[tilespmem:s17+$0x0] =	vst v1  }
0x147: {  	v1 =	vld [tilespmem:s19+$0xFFFFFFC0];
	[tilespmem:s17+$0x10] =	vst v2  }
0x148: {  	v2 =	vld [tilespmem:s19+$0xFFFFFFD0];
	[tilespmem:s17+$0x20] =	vst v0  }
0x149: {  	v0 =	vld [tilespmem:s19+$0xFFFFFFE0];
	[tilespmem:s17+$0xFFFFFFC0] =	vst v3  }
0x14a: {  	v3 =	vld [tilespmem:s19+$0xFFFFFFF0]  }
0x14b: {  	v7 =	vld [tilespmem:s19+$0xFFFFFF90]  }
0x14c: {  	v6 =	vld.idx.msk [tilespmem:v6+s5+$0x0], $0xffff  }
0x14d: {  	v8 =	vld.idx.msk [tilespmem:v5+s5+$0x0], $0xffff  }
0x14e: {  	v5 =	vld.idx.msk [tilespmem:v4+s5+$0x0], $0xffff  }
.Ltmp6:
0x14f: {  	v4 =	vld.idx.msk [tilespmem:v1+s5+$0x0], $0xffff;
	(pc) =	sbr.rel @p0 .LBB2_15-.Ltmp6, $4  }
0x150: {  	v1 =	vld.idx.msk [tilespmem:v2+s5+$0x0], $0xffff  }
0x151: {  	s17 =	sadd.s32 $0x80, s17;
	v2 =	vld.idx.msk [tilespmem:v0+s5+$0x0], $0xffff  }
0x152: {  	v0 =	vld.idx.msk [tilespmem:v3+s5+$0x0], $0xffff;
	[tilespmem:s17+$0x30] =	vst v6  }
0x153: {  	s19 =	sadd.s32 $0x400, s19;
	v3 =	vld.idx.msk [tilespmem:v7+s5+$0x0], $0xffff;
	[tilespmem:s17+$0xFFFFFFD0] =	vst v8  }
0x154: {  	[tilespmem:s17+$0xFFFFFFE0] =	vst v5  }
0x155: {  	[tilespmem:s17+$0xFFFFFFF0] =	vst v4  }
0x156: {  	[tilespmem:s17+$0x0] =	vst v1  }
0x157: {  	[tilespmem:s17+$0x10] =	vst v2  }
0x158: {  	s18 =	rddreg [dreg:$0xa]  }
0x159: {  	s18 =	sadd.s32 s18, s16  }
0x15a: {  	[tilespmem:s17+$0x20] =	vst v0;
	s18 =	sshrl.u32 s18, $0x3  }
0x15b: {  	[tilespmem:s17+$0xFFFFFFC0] =	vst v3;
	s19 =	sadd.s32 s3, s18  }
0x15c: {  	[hbm4b:s19+s29] =	stream.strided.scatter [tilespmem:s25], [sflag:$0x3], $0x400, s30, s29, $0x38;
	[tilespmem:$0x1FF00] =	vst v63  }
0x15d: {  	_ =	swait.ge [sflag:s10], $0x400  }
0x15e: {  	[sflag:s10] =	ssyncset.done $0x0  }
0x15f: {  	s20 =	simm.s32 $0x18AF0;
	[sflag:s10] =	ssyncadd.s32 $0xFFFFFC00  }
0x160: {  	v0 =	vld [tilespmem:s20+$0x0]  }
0x161: {  	v1 =	vld [tilespmem:s20+$0xFFFFFFA0]  }
0x162: {  	v2 =	vld [tilespmem:s20+$0xFFFFFFB0]  }
0x163: {  	v3 =	vld [tilespmem:s20+$0xFFFFFFC0]  }
0x164: {  	v6 =	vld [tilespmem:s20+$0xFFFFFFD0]  }
0x165: {  	v7 =	vld [tilespmem:s20+$0xFFFFFFE0]  }
0x166: {  	v8 =	vld [tilespmem:s20+$0xFFFFFFF0]  }
0x167: {  	v9 =	vld [tilespmem:s20+$0xFFFFFF90]  }
0x168: {  	v10 =	vld.idx.msk [tilespmem:v0+s5+$0x0], $0xffff  }
0x169: {  	v11 =	vld.idx.msk [tilespmem:v1+s5+$0x0], $0xffff  }
0x16a: {  	v5 =	vld.idx.msk [tilespmem:v2+s5+$0x0], $0xffff  }
0x16b: {  	v4 =	vld.idx.msk [tilespmem:v3+s5+$0x0], $0xffff  }
0x16c: {  	v1 =	vld.idx.msk [tilespmem:v6+s5+$0x0], $0xffff  }
0x16d: {  	s17 =	simm.s32 $0x1EB40;
	v2 =	vld.idx.msk [tilespmem:v7+s5+$0x0], $0xffff  }
0x16e: {  	v0 =	vld.idx.msk [tilespmem:v8+s5+$0x0], $0xffff;
	[tilespmem:s17+$0x30] =	vst v10  }
0x16f: {  	s18 =	simm.s32 $0x0;
	s19 =	simm.s32 $0x18EF0;
	v3 =	vld.idx.msk [tilespmem:v9+s5+$0x0], $0xffff;
	[tilespmem:s17+$0xFFFFFFD0] =	vst v11  }
.LBB2_17:
0x170: {  	v6 =	vld [tilespmem:s19+$0x0];
	s18 =	sadd.s32 $0x8, s18;
	[tilespmem:s17+$0xFFFFFFE0] =	vst v5  }
0x171: {  	v5 =	vld [tilespmem:s19+$0xFFFFFFA0];
	p0 =	slt.u32 s18, $0x38;
	[tilespmem:s17+$0xFFFFFFF0] =	vst v4  }
0x172: {  	v4 =	vld [tilespmem:s19+$0xFFFFFFB0];
	[tilespmem:s17+$0x0] =	vst v1  }
0x173: {  	v1 =	vld [tilespmem:s19+$0xFFFFFFC0];
	[tilespmem:s17+$0x10] =	vst v2  }
0x174: {  	v2 =	vld [tilespmem:s19+$0xFFFFFFD0];
	[tilespmem:s17+$0x20] =	vst v0  }
0x175: {  	v0 =	vld [tilespmem:s19+$0xFFFFFFE0];
	[tilespmem:s17+$0xFFFFFFC0] =	vst v3  }
0x176: {  	v3 =	vld [tilespmem:s19+$0xFFFFFFF0]  }
0x177: {  	v7 =	vld [tilespmem:s19+$0xFFFFFF90]  }
0x178: {  	v6 =	vld.idx.msk [tilespmem:v6+s5+$0x0], $0xffff  }
0x179: {  	v8 =	vld.idx.msk [tilespmem:v5+s5+$0x0], $0xffff  }
0x17a: {  	v5 =	vld.idx.msk [tilespmem:v4+s5+$0x0], $0xffff  }
.Ltmp7:
0x17b: {  	v4 =	vld.idx.msk [tilespmem:v1+s5+$0x0], $0xffff;
	(pc) =	sbr.rel @p0 .LBB2_17-.Ltmp7, $4  }
0x17c: {  	v1 =	vld.idx.msk [tilespmem:v2+s5+$0x0], $0xffff  }
0x17d: {  	s17 =	sadd.s32 $0x80, s17;
	v2 =	vld.idx.msk [tilespmem:v0+s5+$0x0], $0xffff  }
0x17e: {  	v0 =	vld.idx.msk [tilespmem:v3+s5+$0x0], $0xffff;
	[tilespmem:s17+$0x30] =	vst v6  }
0x17f: {  	s19 =	sadd.s32 $0x400, s19;
	v3 =	vld.idx.msk [tilespmem:v7+s5+$0x0], $0xffff;
	[tilespmem:s17+$0xFFFFFFD0] =	vst v8  }
0x180: {  	[tilespmem:s17+$0xFFFFFFE0] =	vst v5  }
0x181: {  	[tilespmem:s17+$0xFFFFFFF0] =	vst v4  }
0x182: {  	[tilespmem:s17+$0x0] =	vst v1  }
0x183: {  	[tilespmem:s17+$0x10] =	vst v2  }
0x184: {  	s18 =	rddreg [dreg:$0xb]  }
0x185: {  	s18 =	sadd.s32 s18, s16  }
0x186: {  	[tilespmem:s17+$0x20] =	vst v0;
	s18 =	sshrl.u32 s18, $0x3  }
0x187: {  	[tilespmem:s17+$0xFFFFFFC0] =	vst v3;
	s19 =	sadd.s32 s3, s18  }
0x188: {  	[hbm4b:s19+s29] =	stream.strided.scatter [tilespmem:s1], [sflag:$0x4], $0x400, s30, s29, $0x38;
	[tilespmem:$0x1FF00] =	vst v63  }
0x189: {  	_ =	swait.ge [sflag:s11], $0x400  }
0x18a: {  	[sflag:s11] =	ssyncset.done $0x0  }
0x18b: {  	s20 =	simm.s32 $0x1A770;
	[sflag:s11] =	ssyncadd.s32 $0xFFFFFC00  }
0x18c: {  	v0 =	vld [tilespmem:s20+$0x0]  }
0x18d: {  	v1 =	vld [tilespmem:s20+$0xFFFFFFA0]  }
0x18e: {  	v2 =	vld [tilespmem:s20+$0xFFFFFFB0]  }
0x18f: {  	v3 =	vld [tilespmem:s20+$0xFFFFFFC0]  }
0x190: {  	v6 =	vld [tilespmem:s20+$0xFFFFFFD0]  }
0x191: {  	v7 =	vld [tilespmem:s20+$0xFFFFFFE0]  }
0x192: {  	v8 =	vld [tilespmem:s20+$0xFFFFFFF0]  }
0x193: {  	v9 =	vld [tilespmem:s20+$0xFFFFFF90]  }
0x194: {  	v10 =	vld.idx.msk [tilespmem:v0+s5+$0x0], $0xffff  }
0x195: {  	v11 =	vld.idx.msk [tilespmem:v1+s5+$0x0], $0xffff  }
0x196: {  	v5 =	vld.idx.msk [tilespmem:v2+s5+$0x0], $0xffff  }
0x197: {  	v4 =	vld.idx.msk [tilespmem:v3+s5+$0x0], $0xffff  }
0x198: {  	v1 =	vld.idx.msk [tilespmem:v6+s5+$0x0], $0xffff  }
0x199: {  	s17 =	simm.s32 $0x1EF40;
	v2 =	vld.idx.msk [tilespmem:v7+s5+$0x0], $0xffff  }
0x19a: {  	v0 =	vld.idx.msk [tilespmem:v8+s5+$0x0], $0xffff;
	[tilespmem:s17+$0x30] =	vst v10  }
0x19b: {  	s18 =	simm.s32 $0x0;
	s19 =	simm.s32 $0x1AB70;
	v3 =	vld.idx.msk [tilespmem:v9+s5+$0x0], $0xffff;
	[tilespmem:s17+$0xFFFFFFD0] =	vst v11  }
.LBB2_19:
0x19c: {  	v6 =	vld [tilespmem:s19+$0x0];
	s18 =	sadd.s32 $0x8, s18;
	[tilespmem:s17+$0xFFFFFFE0] =	vst v5  }
0x19d: {  	v5 =	vld [tilespmem:s19+$0xFFFFFFA0];
	p0 =	slt.u32 s18, $0x38;
	[tilespmem:s17+$0xFFFFFFF0] =	vst v4  }
0x19e: {  	v4 =	vld [tilespmem:s19+$0xFFFFFFB0];
	[tilespmem:s17+$0x0] =	vst v1  }
0x19f: {  	v1 =	vld [tilespmem:s19+$0xFFFFFFC0];
	[tilespmem:s17+$0x10] =	vst v2  }
0x1a0: {  	v2 =	vld [tilespmem:s19+$0xFFFFFFD0];
	[tilespmem:s17+$0x20] =	vst v0  }
0x1a1: {  	v0 =	vld [tilespmem:s19+$0xFFFFFFE0];
	[tilespmem:s17+$0xFFFFFFC0] =	vst v3  }
0x1a2: {  	v3 =	vld [tilespmem:s19+$0xFFFFFFF0]  }
0x1a3: {  	v7 =	vld [tilespmem:s19+$0xFFFFFF90]  }
0x1a4: {  	v6 =	vld.idx.msk [tilespmem:v6+s5+$0x0], $0xffff  }
0x1a5: {  	v8 =	vld.idx.msk [tilespmem:v5+s5+$0x0], $0xffff  }
0x1a6: {  	v5 =	vld.idx.msk [tilespmem:v4+s5+$0x0], $0xffff  }
.Ltmp8:
0x1a7: {  	v4 =	vld.idx.msk [tilespmem:v1+s5+$0x0], $0xffff;
	(pc) =	sbr.rel @p0 .LBB2_19-.Ltmp8, $4  }
0x1a8: {  	v1 =	vld.idx.msk [tilespmem:v2+s5+$0x0], $0xffff  }
0x1a9: {  	s17 =	sadd.s32 $0x80, s17;
	v2 =	vld.idx.msk [tilespmem:v0+s5+$0x0], $0xffff  }
0x1aa: {  	v0 =	vld.idx.msk [tilespmem:v3+s5+$0x0], $0xffff;
	[tilespmem:s17+$0x30] =	vst v6  }
0x1ab: {  	s19 =	sadd.s32 $0x400, s19;
	v3 =	vld.idx.msk [tilespmem:v7+s5+$0x0], $0xffff;
	[tilespmem:s17+$0xFFFFFFD0] =	vst v8  }
0x1ac: {  	[tilespmem:s17+$0xFFFFFFE0] =	vst v5  }
0x1ad: {  	[tilespmem:s17+$0xFFFFFFF0] =	vst v4  }
0x1ae: {  	[tilespmem:s17+$0x0] =	vst v1  }
0x1af: {  	[tilespmem:s17+$0x10] =	vst v2  }
0x1b0: {  	s18 =	rddreg [dreg:$0xc]  }
0x1b1: {  	s18 =	sadd.s32 s18, s16  }
0x1b2: {  	[tilespmem:s17+$0x20] =	vst v0;
	s18 =	sshrl.u32 s18, $0x3  }
0x1b3: {  	[tilespmem:s17+$0xFFFFFFC0] =	vst v3;
	s19 =	sadd.s32 s3, s18  }
0x1b4: {  	[hbm4b:s19+s29] =	stream.strided.scatter [tilespmem:s2], [sflag:$0x5], $0x400, s30, s29, $0x38;
	[tilespmem:$0x1FF00] =	vst v63  }
0x1b5: {  	_ =	swait.ge [sflag:s12], $0x400  }
0x1b6: {  	[sflag:s12] =	ssyncset.done $0x0  }
0x1b7: {  	s20 =	simm.s32 $0x1A7F0;
	[sflag:s12] =	ssyncadd.s32 $0xFFFFFC00  }
0x1b8: {  	v0 =	vld [tilespmem:s20+$0x0]  }
0x1b9: {  	v1 =	vld [tilespmem:s20+$0xFFFFFFA0]  }
0x1ba: {  	v2 =	vld [tilespmem:s20+$0xFFFFFFB0]  }
0x1bb: {  	v3 =	vld [tilespmem:s20+$0xFFFFFFC0]  }
0x1bc: {  	v6 =	vld [tilespmem:s20+$0xFFFFFFD0]  }
0x1bd: {  	v7 =	vld [tilespmem:s20+$0xFFFFFFE0]  }
0x1be: {  	v8 =	vld [tilespmem:s20+$0xFFFFFFF0]  }
0x1bf: {  	v9 =	vld [tilespmem:s20+$0xFFFFFF90]  }
0x1c0: {  	v10 =	vld.idx.msk [tilespmem:v0+s5+$0x0], $0xffff  }
0x1c1: {  	v11 =	vld.idx.msk [tilespmem:v1+s5+$0x0], $0xffff  }
0x1c2: {  	v5 =	vld.idx.msk [tilespmem:v2+s5+$0x0], $0xffff  }
0x1c3: {  	v4 =	vld.idx.msk [tilespmem:v3+s5+$0x0], $0xffff  }
0x1c4: {  	v1 =	vld.idx.msk [tilespmem:v6+s5+$0x0], $0xffff  }
0x1c5: {  	s17 =	simm.s32 $0x1F340;
	v2 =	vld.idx.msk [tilespmem:v7+s5+$0x0], $0xffff  }
0x1c6: {  	v0 =	vld.idx.msk [tilespmem:v8+s5+$0x0], $0xffff;
	[tilespmem:s17+$0x30] =	vst v10  }
0x1c7: {  	s18 =	simm.s32 $0x0;
	s19 =	simm.s32 $0x1ABF0;
	v3 =	vld.idx.msk [tilespmem:v9+s5+$0x0], $0xffff;
	[tilespmem:s17+$0xFFFFFFD0] =	vst v11  }
.LBB2_21:
0x1c8: {  	v6 =	vld [tilespmem:s19+$0x0];
	s18 =	sadd.s32 $0x8, s18;
	[tilespmem:s17+$0xFFFFFFE0] =	vst v5  }
0x1c9: {  	v5 =	vld [tilespmem:s19+$0xFFFFFFA0];
	p0 =	slt.u32 s18, $0x38;
	[tilespmem:s17+$0xFFFFFFF0] =	vst v4  }
0x1ca: {  	v4 =	vld [tilespmem:s19+$0xFFFFFFB0];
	[tilespmem:s17+$0x0] =	vst v1  }
0x1cb: {  	v1 =	vld [tilespmem:s19+$0xFFFFFFC0];
	[tilespmem:s17+$0x10] =	vst v2  }
0x1cc: {  	v2 =	vld [tilespmem:s19+$0xFFFFFFD0];
	[tilespmem:s17+$0x20] =	vst v0  }
0x1cd: {  	v0 =	vld [tilespmem:s19+$0xFFFFFFE0];
	[tilespmem:s17+$0xFFFFFFC0] =	vst v3  }
0x1ce: {  	v3 =	vld [tilespmem:s19+$0xFFFFFFF0]  }
0x1cf: {  	v7 =	vld [tilespmem:s19+$0xFFFFFF90]  }
0x1d0: {  	v6 =	vld.idx.msk [tilespmem:v6+s5+$0x0], $0xffff  }
0x1d1: {  	v8 =	vld.idx.msk [tilespmem:v5+s5+$0x0], $0xffff  }
0x1d2: {  	v5 =	vld.idx.msk [tilespmem:v4+s5+$0x0], $0xffff  }
.Ltmp9:
0x1d3: {  	v4 =	vld.idx.msk [tilespmem:v1+s5+$0x0], $0xffff;
	(pc) =	sbr.rel @p0 .LBB2_21-.Ltmp9, $4  }
0x1d4: {  	v1 =	vld.idx.msk [tilespmem:v2+s5+$0x0], $0xffff  }
0x1d5: {  	s17 =	sadd.s32 $0x80, s17;
	v2 =	vld.idx.msk [tilespmem:v0+s5+$0x0], $0xffff  }
0x1d6: {  	v0 =	vld.idx.msk [tilespmem:v3+s5+$0x0], $0xffff;
	[tilespmem:s17+$0x30] =	vst v6  }
0x1d7: {  	s19 =	sadd.s32 $0x400, s19;
	v3 =	vld.idx.msk [tilespmem:v7+s5+$0x0], $0xffff;
	[tilespmem:s17+$0xFFFFFFD0] =	vst v8  }
0x1d8: {  	[tilespmem:s17+$0xFFFFFFE0] =	vst v5  }
0x1d9: {  	[tilespmem:s17+$0xFFFFFFF0] =	vst v4  }
0x1da: {  	[tilespmem:s17+$0x0] =	vst v1  }
0x1db: {  	[tilespmem:s17+$0x10] =	vst v2  }
0x1dc: {  	s18 =	rddreg [dreg:$0xd]  }
0x1dd: {  	s18 =	sadd.s32 s18, s16  }
0x1de: {  	[tilespmem:s17+$0x20] =	vst v0;
	s18 =	sshrl.u32 s18, $0x3  }
0x1df: {  	[tilespmem:s17+$0xFFFFFFC0] =	vst v3;
	s19 =	sadd.s32 s3, s18  }
0x1e0: {  	[hbm4b:s19+s29] =	stream.strided.scatter [tilespmem:s31], [sflag:$0x6], $0x400, s30, s29, $0x38;
	[tilespmem:$0x1FF00] =	vst v63  }
0x1e1: {  	_ =	swait.ge [sflag:s13], $0x400  }
0x1e2: {  	[sflag:s13] =	ssyncset.done $0x0  }
0x1e3: {  	s20 =	simm.s32 $0x1A870;
	[sflag:s13] =	ssyncadd.s32 $0xFFFFFC00  }
0x1e4: {  	v0 =	vld [tilespmem:s20+$0x0]  }
0x1e5: {  	v1 =	vld [tilespmem:s20+$0xFFFFFFA0]  }
0x1e6: {  	v2 =	vld [tilespmem:s20+$0xFFFFFFB0]  }
0x1e7: {  	v3 =	vld [tilespmem:s20+$0xFFFFFFC0]  }
0x1e8: {  	v6 =	vld [tilespmem:s20+$0xFFFFFFD0]  }
0x1e9: {  	v7 =	vld [tilespmem:s20+$0xFFFFFFE0]  }
0x1ea: {  	v8 =	vld [tilespmem:s20+$0xFFFFFFF0]  }
0x1eb: {  	v9 =	vld [tilespmem:s20+$0xFFFFFF90]  }
0x1ec: {  	v10 =	vld.idx.msk [tilespmem:v0+s5+$0x0], $0xffff  }
0x1ed: {  	v11 =	vld.idx.msk [tilespmem:v1+s5+$0x0], $0xffff  }
0x1ee: {  	v5 =	vld.idx.msk [tilespmem:v2+s5+$0x0], $0xffff  }
0x1ef: {  	v4 =	vld.idx.msk [tilespmem:v3+s5+$0x0], $0xffff  }
0x1f0: {  	v1 =	vld.idx.msk [tilespmem:v6+s5+$0x0], $0xffff  }
0x1f1: {  	s17 =	simm.s32 $0x1F740;
	v2 =	vld.idx.msk [tilespmem:v7+s5+$0x0], $0xffff  }
0x1f2: {  	v0 =	vld.idx.msk [tilespmem:v8+s5+$0x0], $0xffff;
	[tilespmem:s17+$0x30] =	vst v10  }
0x1f3: {  	s18 =	simm.s32 $0x0;
	s19 =	simm.s32 $0x1AC70;
	v3 =	vld.idx.msk [tilespmem:v9+s5+$0x0], $0xffff;
	[tilespmem:s17+$0xFFFFFFD0] =	vst v11  }
.LBB2_23:
0x1f4: {  	v6 =	vld [tilespmem:s19+$0x0];
	s18 =	sadd.s32 $0x8, s18;
	[tilespmem:s17+$0xFFFFFFE0] =	vst v5  }
0x1f5: {  	v5 =	vld [tilespmem:s19+$0xFFFFFFA0];
	p0 =	slt.u32 s18, $0x38;
	[tilespmem:s17+$0xFFFFFFF0] =	vst v4  }
0x1f6: {  	v4 =	vld [tilespmem:s19+$0xFFFFFFB0];
	[tilespmem:s17+$0x0] =	vst v1  }
0x1f7: {  	v1 =	vld [tilespmem:s19+$0xFFFFFFC0];
	[tilespmem:s17+$0x10] =	vst v2  }
0x1f8: {  	v2 =	vld [tilespmem:s19+$0xFFFFFFD0];
	[tilespmem:s17+$0x20] =	vst v0  }
0x1f9: {  	v0 =	vld [tilespmem:s19+$0xFFFFFFE0];
	[tilespmem:s17+$0xFFFFFFC0] =	vst v3  }
0x1fa: {  	v3 =	vld [tilespmem:s19+$0xFFFFFFF0]  }
0x1fb: {  	v7 =	vld [tilespmem:s19+$0xFFFFFF90]  }
0x1fc: {  	v6 =	vld.idx.msk [tilespmem:v6+s5+$0x0], $0xffff  }
0x1fd: {  	v8 =	vld.idx.msk [tilespmem:v5+s5+$0x0], $0xffff  }
0x1fe: {  	v5 =	vld.idx.msk [tilespmem:v4+s5+$0x0], $0xffff  }
.Ltmp10:
0x1ff: {  	v4 =	vld.idx.msk [tilespmem:v1+s5+$0x0], $0xffff;
	(pc) =	sbr.rel @p0 .LBB2_23-.Ltmp10, $4  }
0x200: {  	v1 =	vld.idx.msk [tilespmem:v2+s5+$0x0], $0xffff  }
0x201: {  	s17 =	sadd.s32 $0x80, s17;
	v2 =	vld.idx.msk [tilespmem:v0+s5+$0x0], $0xffff  }
0x202: {  	v0 =	vld.idx.msk [tilespmem:v3+s5+$0x0], $0xffff;
	[tilespmem:s17+$0x30] =	vst v6  }
0x203: {  	s19 =	sadd.s32 $0x400, s19;
	v3 =	vld.idx.msk [tilespmem:v7+s5+$0x0], $0xffff;
	[tilespmem:s17+$0xFFFFFFD0] =	vst v8  }
0x204: {  	[tilespmem:s17+$0xFFFFFFE0] =	vst v5  }
0x205: {  	[tilespmem:s17+$0xFFFFFFF0] =	vst v4  }
0x206: {  	[tilespmem:s17+$0x0] =	vst v1  }
0x207: {  	[tilespmem:s17+$0x10] =	vst v2  }
0x208: {  	s18 =	rddreg [dreg:$0xe]  }
0x209: {  	s18 =	sadd.s32 s18, s16  }
0x20a: {  	[tilespmem:s17+$0x20] =	vst v0;
	s18 =	sshrl.u32 s18, $0x3  }
0x20b: {  	[tilespmem:s17+$0xFFFFFFC0] =	vst v3;
	s19 =	sadd.s32 s3, s18  }
0x20c: {  	[hbm4b:s19+s29] =	stream.strided.scatter [tilespmem:s6], [sflag:$0x7], $0x400, s30, s29, $0x38;
	[tilespmem:$0x1FF00] =	vst v63  }
0x20d: {  	_ =	swait.ge [sflag:s14], $0x400  }
0x20e: {  	[sflag:s14] =	ssyncset.done $0x0  }
0x20f: {  	s20 =	simm.s32 $0x1A8F0;
	[sflag:s14] =	ssyncadd.s32 $0xFFFFFC00  }
0x210: {  	v0 =	vld [tilespmem:s20+$0x0]  }
0x211: {  	v1 =	vld [tilespmem:s20+$0xFFFFFFA0]  }
0x212: {  	v2 =	vld [tilespmem:s20+$0xFFFFFFB0]  }
0x213: {  	v3 =	vld [tilespmem:s20+$0xFFFFFFC0]  }
0x214: {  	v6 =	vld [tilespmem:s20+$0xFFFFFFD0]  }
0x215: {  	v7 =	vld [tilespmem:s20+$0xFFFFFFE0]  }
0x216: {  	v8 =	vld [tilespmem:s20+$0xFFFFFFF0]  }
0x217: {  	v9 =	vld [tilespmem:s20+$0xFFFFFF90]  }
0x218: {  	v10 =	vld.idx.msk [tilespmem:v0+s5+$0x0], $0xffff  }
0x219: {  	v11 =	vld.idx.msk [tilespmem:v1+s5+$0x0], $0xffff  }
0x21a: {  	v5 =	vld.idx.msk [tilespmem:v2+s5+$0x0], $0xffff  }
0x21b: {  	v4 =	vld.idx.msk [tilespmem:v3+s5+$0x0], $0xffff  }
0x21c: {  	v1 =	vld.idx.msk [tilespmem:v6+s5+$0x0], $0xffff  }
0x21d: {  	s17 =	simm.s32 $0x1FB40;
	v2 =	vld.idx.msk [tilespmem:v7+s5+$0x0], $0xffff  }
0x21e: {  	v0 =	vld.idx.msk [tilespmem:v8+s5+$0x0], $0xffff;
	[tilespmem:s17+$0x30] =	vst v10  }
0x21f: {  	s18 =	simm.s32 $0x0;
	s19 =	simm.s32 $0x1ACF0;
	v3 =	vld.idx.msk [tilespmem:v9+s5+$0x0], $0xffff;
	[tilespmem:s17+$0xFFFFFFD0] =	vst v11  }
.LBB2_25:
0x220: {  	v6 =	vld [tilespmem:s19+$0x0];
	s18 =	sadd.s32 $0x8, s18;
	[tilespmem:s17+$0xFFFFFFE0] =	vst v5  }
0x221: {  	v5 =	vld [tilespmem:s19+$0xFFFFFFA0];
	p0 =	slt.u32 s18, $0x38;
	[tilespmem:s17+$0xFFFFFFF0] =	vst v4  }
0x222: {  	v4 =	vld [tilespmem:s19+$0xFFFFFFB0];
	[tilespmem:s17+$0x0] =	vst v1  }
0x223: {  	v1 =	vld [tilespmem:s19+$0xFFFFFFC0];
	[tilespmem:s17+$0x10] =	vst v2  }
0x224: {  	v2 =	vld [tilespmem:s19+$0xFFFFFFD0];
	[tilespmem:s17+$0x20] =	vst v0  }
0x225: {  	v0 =	vld [tilespmem:s19+$0xFFFFFFE0];
	[tilespmem:s17+$0xFFFFFFC0] =	vst v3  }
0x226: {  	v3 =	vld [tilespmem:s19+$0xFFFFFFF0]  }
0x227: {  	v7 =	vld [tilespmem:s19+$0xFFFFFF90]  }
0x228: {  	v6 =	vld.idx.msk [tilespmem:v6+s5+$0x0], $0xffff  }
0x229: {  	v8 =	vld.idx.msk [tilespmem:v5+s5+$0x0], $0xffff  }
0x22a: {  	v5 =	vld.idx.msk [tilespmem:v4+s5+$0x0], $0xffff  }
.Ltmp11:
0x22b: {  	v4 =	vld.idx.msk [tilespmem:v1+s5+$0x0], $0xffff;
	(pc) =	sbr.rel @p0 .LBB2_25-.Ltmp11, $4  }
0x22c: {  	v1 =	vld.idx.msk [tilespmem:v2+s5+$0x0], $0xffff  }
0x22d: {  	s17 =	sadd.s32 $0x80, s17;
	v2 =	vld.idx.msk [tilespmem:v0+s5+$0x0], $0xffff  }
0x22e: {  	v0 =	vld.idx.msk [tilespmem:v3+s5+$0x0], $0xffff;
	[tilespmem:s17+$0x30] =	vst v6  }
0x22f: {  	s19 =	sadd.s32 $0x400, s19;
	v3 =	vld.idx.msk [tilespmem:v7+s5+$0x0], $0xffff;
	[tilespmem:s17+$0xFFFFFFD0] =	vst v8  }
0x230: {  	[tilespmem:s17+$0xFFFFFFE0] =	vst v5  }
0x231: {  	[tilespmem:s17+$0xFFFFFFF0] =	vst v4  }
0x232: {  	[tilespmem:s17+$0x0] =	vst v1  }
0x233: {  	[tilespmem:s17+$0x10] =	vst v2  }
0x234: {  	s18 =	rddreg [dreg:$0xf]  }
0x235: {  	s18 =	sadd.s32 s18, s16  }
0x236: {  	[tilespmem:s17+$0x20] =	vst v0;
	s18 =	sshrl.u32 s18, $0x3  }
0x237: {  	[tilespmem:s17+$0xFFFFFFC0] =	vst v3;
	s19 =	sadd.s32 s3, s18  }
0x238: {  	[hbm4b:s19+s29] =	stream.strided.scatter [tilespmem:s8], [sflag:$0x8], $0x400, s30, s29, $0x38;
	[tilespmem:$0x1FF00] =	vst v63  }
0x239: {  	_ =	swait.ge [sflag:s9], $0x400  }
0x23a: {  	[sflag:s9] =	ssyncset.done $0x0  }
0x23b: {  	s20 =	simm.s32 $0x1A970;
	[sflag:s9] =	ssyncadd.s32 $0xFFFFFC00  }
0x23c: {  	v0 =	vld [tilespmem:s20+$0x0]  }
0x23d: {  	v1 =	vld [tilespmem:s20+$0xFFFFFFA0]  }
0x23e: {  	v2 =	vld [tilespmem:s20+$0xFFFFFFB0]  }
0x23f: {  	v3 =	vld [tilespmem:s20+$0xFFFFFFC0]  }
0x240: {  	v6 =	vld [tilespmem:s20+$0xFFFFFFD0]  }
0x241: {  	v7 =	vld [tilespmem:s20+$0xFFFFFFE0]  }
0x242: {  	v8 =	vld [tilespmem:s20+$0xFFFFFFF0]  }
0x243: {  	v9 =	vld [tilespmem:s20+$0xFFFFFF90]  }
0x244: {  	v10 =	vld.idx.msk [tilespmem:v0+s5+$0x0], $0xffff  }
0x245: {  	v11 =	vld.idx.msk [tilespmem:v1+s5+$0x0], $0xffff  }
0x246: {  	v5 =	vld.idx.msk [tilespmem:v2+s5+$0x0], $0xffff  }
0x247: {  	v4 =	vld.idx.msk [tilespmem:v3+s5+$0x0], $0xffff  }
0x248: {  	v1 =	vld.idx.msk [tilespmem:v6+s5+$0x0], $0xffff  }
0x249: {  	s17 =	simm.s32 $0x1E740;
	v2 =	vld.idx.msk [tilespmem:v7+s5+$0x0], $0xffff  }
0x24a: {  	v0 =	vld.idx.msk [tilespmem:v8+s5+$0x0], $0xffff;
	[tilespmem:s17+$0x30] =	vst v10  }
0x24b: {  	s18 =	simm.s32 $0x0;
	s19 =	simm.s32 $0x1AD70;
	v3 =	vld.idx.msk [tilespmem:v9+s5+$0x0], $0xffff;
	[tilespmem:s17+$0xFFFFFFD0] =	vst v11  }
.LBB2_27:
0x24c: {  	v6 =	vld [tilespmem:s19+$0x0];
	s18 =	sadd.s32 $0x8, s18;
	[tilespmem:s17+$0xFFFFFFE0] =	vst v5  }
0x24d: {  	v5 =	vld [tilespmem:s19+$0xFFFFFFA0];
	p0 =	slt.u32 s18, $0x38;
	[tilespmem:s17+$0xFFFFFFF0] =	vst v4  }
0x24e: {  	v4 =	vld [tilespmem:s19+$0xFFFFFFB0];
	[tilespmem:s17+$0x0] =	vst v1  }
0x24f: {  	v1 =	vld [tilespmem:s19+$0xFFFFFFC0];
	[tilespmem:s17+$0x10] =	vst v2  }
0x250: {  	v2 =	vld [tilespmem:s19+$0xFFFFFFD0];
	[tilespmem:s17+$0x20] =	vst v0  }
0x251: {  	v0 =	vld [tilespmem:s19+$0xFFFFFFE0];
	[tilespmem:s17+$0xFFFFFFC0] =	vst v3  }
0x252: {  	v3 =	vld [tilespmem:s19+$0xFFFFFFF0]  }
0x253: {  	v7 =	vld [tilespmem:s19+$0xFFFFFF90]  }
0x254: {  	v6 =	vld.idx.msk [tilespmem:v6+s5+$0x0], $0xffff  }
0x255: {  	v8 =	vld.idx.msk [tilespmem:v5+s5+$0x0], $0xffff  }
0x256: {  	v5 =	vld.idx.msk [tilespmem:v4+s5+$0x0], $0xffff  }
.Ltmp12:
0x257: {  	v4 =	vld.idx.msk [tilespmem:v1+s5+$0x0], $0xffff;
	(pc) =	sbr.rel @p0 .LBB2_27-.Ltmp12, $4  }
0x258: {  	v1 =	vld.idx.msk [tilespmem:v2+s5+$0x0], $0xffff  }
0x259: {  	s17 =	sadd.s32 $0x80, s17;
	v2 =	vld.idx.msk [tilespmem:v0+s5+$0x0], $0xffff  }
0x25a: {  	v0 =	vld.idx.msk [tilespmem:v3+s5+$0x0], $0xffff;
	[tilespmem:s17+$0x30] =	vst v6  }
0x25b: {  	s19 =	sadd.s32 $0x400, s19;
	v3 =	vld.idx.msk [tilespmem:v7+s5+$0x0], $0xffff;
	[tilespmem:s17+$0xFFFFFFD0] =	vst v8  }
0x25c: {  	[tilespmem:s17+$0xFFFFFFE0] =	vst v5  }
0x25d: {  	[tilespmem:s17+$0xFFFFFFF0] =	vst v4  }
0x25e: {  	[tilespmem:s17+$0x0] =	vst v1  }
0x25f: {  	[tilespmem:s17+$0x10] =	vst v2  }
0x260: {  	s18 =	rddreg [dreg:$0x10]  }
0x261: {  	s18 =	sadd.s32 s18, s16  }
0x262: {  	[tilespmem:s17+$0x20] =	vst v0;
	s18 =	sshrl.u32 s18, $0x3  }
0x263: {  	[tilespmem:s17+$0xFFFFFFC0] =	vst v3;
	s19 =	sadd.s32 s3, s18  }
0x264: {  	[hbm4b:s19+s29] =	stream.strided.scatter [tilespmem:s25], [sflag:$0x3], $0x400, s30, s29, $0x38;
	[tilespmem:$0x1FF00] =	vst v63  }
0x265: {  	_ =	swait.ge [sflag:s10], $0x400  }
0x266: {  	[sflag:s10] =	ssyncset.done $0x0  }
0x267: {  	s20 =	simm.s32 $0x1A9F0;
	[sflag:s10] =	ssyncadd.s32 $0xFFFFFC00  }
0x268: {  	v0 =	vld [tilespmem:s20+$0x0]  }
0x269: {  	v1 =	vld [tilespmem:s20+$0xFFFFFFA0]  }
0x26a: {  	v2 =	vld [tilespmem:s20+$0xFFFFFFB0]  }
0x26b: {  	v3 =	vld [tilespmem:s20+$0xFFFFFFC0]  }
0x26c: {  	v6 =	vld [tilespmem:s20+$0xFFFFFFD0]  }
0x26d: {  	v7 =	vld [tilespmem:s20+$0xFFFFFFE0]  }
0x26e: {  	v8 =	vld [tilespmem:s20+$0xFFFFFFF0]  }
0x26f: {  	v9 =	vld [tilespmem:s20+$0xFFFFFF90]  }
0x270: {  	v10 =	vld.idx.msk [tilespmem:v0+s5+$0x0], $0xffff  }
0x271: {  	v11 =	vld.idx.msk [tilespmem:v1+s5+$0x0], $0xffff  }
0x272: {  	v5 =	vld.idx.msk [tilespmem:v2+s5+$0x0], $0xffff  }
0x273: {  	v4 =	vld.idx.msk [tilespmem:v3+s5+$0x0], $0xffff  }
0x274: {  	v1 =	vld.idx.msk [tilespmem:v6+s5+$0x0], $0xffff  }
0x275: {  	s17 =	simm.s32 $0x1EB40;
	v2 =	vld.idx.msk [tilespmem:v7+s5+$0x0], $0xffff  }
0x276: {  	v0 =	vld.idx.msk [tilespmem:v8+s5+$0x0], $0xffff;
	[tilespmem:s17+$0x30] =	vst v10  }
0x277: {  	s18 =	simm.s32 $0x0;
	s19 =	simm.s32 $0x1ADF0;
	v3 =	vld.idx.msk [tilespmem:v9+s5+$0x0], $0xffff;
	[tilespmem:s17+$0xFFFFFFD0] =	vst v11  }
.LBB2_29:
0x278: {  	v6 =	vld [tilespmem:s19+$0x0];
	s18 =	sadd.s32 $0x8, s18;
	[tilespmem:s17+$0xFFFFFFE0] =	vst v5  }
0x279: {  	v5 =	vld [tilespmem:s19+$0xFFFFFFA0];
	p0 =	slt.u32 s18, $0x38;
	[tilespmem:s17+$0xFFFFFFF0] =	vst v4  }
0x27a: {  	v4 =	vld [tilespmem:s19+$0xFFFFFFB0];
	[tilespmem:s17+$0x0] =	vst v1  }
0x27b: {  	v1 =	vld [tilespmem:s19+$0xFFFFFFC0];
	[tilespmem:s17+$0x10] =	vst v2  }
0x27c: {  	v2 =	vld [tilespmem:s19+$0xFFFFFFD0];
	[tilespmem:s17+$0x20] =	vst v0  }
0x27d: {  	v0 =	vld [tilespmem:s19+$0xFFFFFFE0];
	[tilespmem:s17+$0xFFFFFFC0] =	vst v3  }
0x27e: {  	v3 =	vld [tilespmem:s19+$0xFFFFFFF0]  }
0x27f: {  	v7 =	vld [tilespmem:s19+$0xFFFFFF90]  }
0x280: {  	v6 =	vld.idx.msk [tilespmem:v6+s5+$0x0], $0xffff  }
0x281: {  	v8 =	vld.idx.msk [tilespmem:v5+s5+$0x0], $0xffff  }
0x282: {  	v5 =	vld.idx.msk [tilespmem:v4+s5+$0x0], $0xffff  }
.Ltmp13:
0x283: {  	v4 =	vld.idx.msk [tilespmem:v1+s5+$0x0], $0xffff;
	(pc) =	sbr.rel @p0 .LBB2_29-.Ltmp13, $4  }
0x284: {  	v1 =	vld.idx.msk [tilespmem:v2+s5+$0x0], $0xffff  }
0x285: {  	s17 =	sadd.s32 $0x80, s17;
	v2 =	vld.idx.msk [tilespmem:v0+s5+$0x0], $0xffff  }
0x286: {  	v0 =	vld.idx.msk [tilespmem:v3+s5+$0x0], $0xffff;
	[tilespmem:s17+$0x30] =	vst v6  }
0x287: {  	s19 =	sadd.s32 $0x400, s19;
	v3 =	vld.idx.msk [tilespmem:v7+s5+$0x0], $0xffff;
	[tilespmem:s17+$0xFFFFFFD0] =	vst v8  }
0x288: {  	[tilespmem:s17+$0xFFFFFFE0] =	vst v5  }
0x289: {  	[tilespmem:s17+$0xFFFFFFF0] =	vst v4  }
0x28a: {  	[tilespmem:s17+$0x0] =	vst v1  }
0x28b: {  	[tilespmem:s17+$0x10] =	vst v2  }
0x28c: {  	s18 =	rddreg [dreg:$0x11]  }
0x28d: {  	s18 =	sadd.s32 s18, s16  }
0x28e: {  	[tilespmem:s17+$0x20] =	vst v0;
	s18 =	sshrl.u32 s18, $0x3  }
0x28f: {  	[tilespmem:s17+$0xFFFFFFC0] =	vst v3;
	s19 =	sadd.s32 s3, s18  }
0x290: {  	[hbm4b:s19+s29] =	stream.strided.scatter [tilespmem:s1], [sflag:$0x4], $0x400, s30, s29, $0x38;
	[tilespmem:$0x1FF00] =	vst v63  }
0x291: {  	_ =	swait.ge [sflag:s11], $0x400  }
0x292: {  	[sflag:s11] =	ssyncset.done $0x0  }
0x293: {  	s20 =	simm.s32 $0x1AA70;
	[sflag:s11] =	ssyncadd.s32 $0xFFFFFC00  }
0x294: {  	v0 =	vld [tilespmem:s20+$0x0]  }
0x295: {  	v1 =	vld [tilespmem:s20+$0xFFFFFFA0]  }
0x296: {  	v2 =	vld [tilespmem:s20+$0xFFFFFFB0]  }
0x297: {  	v3 =	vld [tilespmem:s20+$0xFFFFFFC0]  }
0x298: {  	v6 =	vld [tilespmem:s20+$0xFFFFFFD0]  }
0x299: {  	v7 =	vld [tilespmem:s20+$0xFFFFFFE0]  }
0x29a: {  	v8 =	vld [tilespmem:s20+$0xFFFFFFF0]  }
0x29b: {  	v9 =	vld [tilespmem:s20+$0xFFFFFF90]  }
0x29c: {  	v10 =	vld.idx.msk [tilespmem:v0+s5+$0x0], $0xffff  }
0x29d: {  	v11 =	vld.idx.msk [tilespmem:v1+s5+$0x0], $0xffff  }
0x29e: {  	v5 =	vld.idx.msk [tilespmem:v2+s5+$0x0], $0xffff  }
0x29f: {  	v4 =	vld.idx.msk [tilespmem:v3+s5+$0x0], $0xffff  }
0x2a0: {  	v1 =	vld.idx.msk [tilespmem:v6+s5+$0x0], $0xffff  }
0x2a1: {  	s17 =	simm.s32 $0x1EF40;
	v2 =	vld.idx.msk [tilespmem:v7+s5+$0x0], $0xffff  }
0x2a2: {  	v0 =	vld.idx.msk [tilespmem:v8+s5+$0x0], $0xffff;
	[tilespmem:s17+$0x30] =	vst v10  }
0x2a3: {  	s18 =	simm.s32 $0x0;
	s19 =	simm.s32 $0x1AE70;
	v3 =	vld.idx.msk [tilespmem:v9+s5+$0x0], $0xffff;
	[tilespmem:s17+$0xFFFFFFD0] =	vst v11  }
.LBB2_31:
0x2a4: {  	v6 =	vld [tilespmem:s19+$0x0];
	s18 =	sadd.s32 $0x8, s18;
	[tilespmem:s17+$0xFFFFFFE0] =	vst v5  }
0x2a5: {  	v5 =	vld [tilespmem:s19+$0xFFFFFFA0];
	p0 =	slt.u32 s18, $0x38;
	[tilespmem:s17+$0xFFFFFFF0] =	vst v4  }
0x2a6: {  	v4 =	vld [tilespmem:s19+$0xFFFFFFB0];
	[tilespmem:s17+$0x0] =	vst v1  }
0x2a7: {  	v1 =	vld [tilespmem:s19+$0xFFFFFFC0];
	[tilespmem:s17+$0x10] =	vst v2  }
0x2a8: {  	v2 =	vld [tilespmem:s19+$0xFFFFFFD0];
	[tilespmem:s17+$0x20] =	vst v0  }
0x2a9: {  	v0 =	vld [tilespmem:s19+$0xFFFFFFE0];
	[tilespmem:s17+$0xFFFFFFC0] =	vst v3  }
0x2aa: {  	v3 =	vld [tilespmem:s19+$0xFFFFFFF0]  }
0x2ab: {  	v7 =	vld [tilespmem:s19+$0xFFFFFF90]  }
0x2ac: {  	v6 =	vld.idx.msk [tilespmem:v6+s5+$0x0], $0xffff  }
0x2ad: {  	v8 =	vld.idx.msk [tilespmem:v5+s5+$0x0], $0xffff  }
0x2ae: {  	v5 =	vld.idx.msk [tilespmem:v4+s5+$0x0], $0xffff  }
.Ltmp14:
0x2af: {  	v4 =	vld.idx.msk [tilespmem:v1+s5+$0x0], $0xffff;
	(pc) =	sbr.rel @p0 .LBB2_31-.Ltmp14, $4  }
0x2b0: {  	v1 =	vld.idx.msk [tilespmem:v2+s5+$0x0], $0xffff  }
0x2b1: {  	s17 =	sadd.s32 $0x80, s17;
	v2 =	vld.idx.msk [tilespmem:v0+s5+$0x0], $0xffff  }
0x2b2: {  	v0 =	vld.idx.msk [tilespmem:v3+s5+$0x0], $0xffff;
	[tilespmem:s17+$0x30] =	vst v6  }
0x2b3: {  	s19 =	sadd.s32 $0x400, s19;
	v3 =	vld.idx.msk [tilespmem:v7+s5+$0x0], $0xffff;
	[tilespmem:s17+$0xFFFFFFD0] =	vst v8  }
0x2b4: {  	[tilespmem:s17+$0xFFFFFFE0] =	vst v5  }
0x2b5: {  	[tilespmem:s17+$0xFFFFFFF0] =	vst v4  }
0x2b6: {  	[tilespmem:s17+$0x0] =	vst v1  }
0x2b7: {  	s18 =	sadd.s32 s21, s16;
	[tilespmem:s17+$0x10] =	vst v2  }
0x2b8: {  	s18 =	sshrl.u32 s18, $0x3;
	[tilespmem:s17+$0x20] =	vst v0  }
0x2b9: {  	s19 =	sadd.s32 s3, s18;
	[tilespmem:s17+$0xFFFFFFC0] =	vst v3  }
0x2ba: {  	[hbm4b:s19+s29] =	stream.strided.scatter [tilespmem:s2], [sflag:$0x5], $0x400, s30, s29, $0x38;
	[tilespmem:$0x1FF00] =	vst v63  }
0x2bb: {  	_ =	swait.ge [sflag:s12], $0x400  }
0x2bc: {  	[sflag:s12] =	ssyncset.done $0x0  }
0x2bd: {  	s20 =	simm.s32 $0x1AAF0;
	[sflag:s12] =	ssyncadd.s32 $0xFFFFFC00  }
0x2be: {  	v0 =	vld [tilespmem:s20+$0x0]  }
0x2bf: {  	v1 =	vld [tilespmem:s20+$0xFFFFFFA0]  }
0x2c0: {  	v2 =	vld [tilespmem:s20+$0xFFFFFFB0]  }
0x2c1: {  	v3 =	vld [tilespmem:s20+$0xFFFFFFC0]  }
0x2c2: {  	v6 =	vld [tilespmem:s20+$0xFFFFFFD0]  }
0x2c3: {  	v7 =	vld [tilespmem:s20+$0xFFFFFFE0]  }
0x2c4: {  	v8 =	vld [tilespmem:s20+$0xFFFFFFF0]  }
0x2c5: {  	v9 =	vld [tilespmem:s20+$0xFFFFFF90]  }
0x2c6: {  	v10 =	vld.idx.msk [tilespmem:v0+s5+$0x0], $0xffff  }
0x2c7: {  	v11 =	vld.idx.msk [tilespmem:v1+s5+$0x0], $0xffff  }
0x2c8: {  	v5 =	vld.idx.msk [tilespmem:v2+s5+$0x0], $0xffff  }
0x2c9: {  	v4 =	vld.idx.msk [tilespmem:v3+s5+$0x0], $0xffff  }
0x2ca: {  	v1 =	vld.idx.msk [tilespmem:v6+s5+$0x0], $0xffff  }
0x2cb: {  	s17 =	simm.s32 $0x1F340;
	v2 =	vld.idx.msk [tilespmem:v7+s5+$0x0], $0xffff  }
0x2cc: {  	v0 =	vld.idx.msk [tilespmem:v8+s5+$0x0], $0xffff;
	[tilespmem:s17+$0x30] =	vst v10  }
0x2cd: {  	s18 =	simm.s32 $0x0;
	s19 =	simm.s32 $0x1AEF0;
	v3 =	vld.idx.msk [tilespmem:v9+s5+$0x0], $0xffff;
	[tilespmem:s17+$0xFFFFFFD0] =	vst v11  }
.LBB2_33:
0x2ce: {  	v6 =	vld [tilespmem:s19+$0x0];
	s18 =	sadd.s32 $0x8, s18;
	[tilespmem:s17+$0xFFFFFFE0] =	vst v5  }
0x2cf: {  	v5 =	vld [tilespmem:s19+$0xFFFFFFA0];
	p0 =	slt.u32 s18, $0x38;
	[tilespmem:s17+$0xFFFFFFF0] =	vst v4  }
0x2d0: {  	v4 =	vld [tilespmem:s19+$0xFFFFFFB0];
	[tilespmem:s17+$0x0] =	vst v1  }
0x2d1: {  	v1 =	vld [tilespmem:s19+$0xFFFFFFC0];
	[tilespmem:s17+$0x10] =	vst v2  }
0x2d2: {  	v2 =	vld [tilespmem:s19+$0xFFFFFFD0];
	[tilespmem:s17+$0x20] =	vst v0  }
0x2d3: {  	v0 =	vld [tilespmem:s19+$0xFFFFFFE0];
	[tilespmem:s17+$0xFFFFFFC0] =	vst v3  }
0x2d4: {  	v3 =	vld [tilespmem:s19+$0xFFFFFFF0]  }
0x2d5: {  	v7 =	vld [tilespmem:s19+$0xFFFFFF90]  }
0x2d6: {  	v6 =	vld.idx.msk [tilespmem:v6+s5+$0x0], $0xffff  }
0x2d7: {  	v8 =	vld.idx.msk [tilespmem:v5+s5+$0x0], $0xffff  }
0x2d8: {  	v5 =	vld.idx.msk [tilespmem:v4+s5+$0x0], $0xffff  }
.Ltmp15:
0x2d9: {  	v4 =	vld.idx.msk [tilespmem:v1+s5+$0x0], $0xffff;
	(pc) =	sbr.rel @p0 .LBB2_33-.Ltmp15, $4  }
0x2da: {  	v1 =	vld.idx.msk [tilespmem:v2+s5+$0x0], $0xffff  }
0x2db: {  	s17 =	sadd.s32 $0x80, s17;
	v2 =	vld.idx.msk [tilespmem:v0+s5+$0x0], $0xffff  }
0x2dc: {  	v0 =	vld.idx.msk [tilespmem:v3+s5+$0x0], $0xffff;
	[tilespmem:s17+$0x30] =	vst v6  }
0x2dd: {  	s19 =	sadd.s32 $0x400, s19;
	v3 =	vld.idx.msk [tilespmem:v7+s5+$0x0], $0xffff;
	[tilespmem:s17+$0xFFFFFFD0] =	vst v8  }
0x2de: {  	[tilespmem:s17+$0xFFFFFFE0] =	vst v5  }
0x2df: {  	[tilespmem:s17+$0xFFFFFFF0] =	vst v4  }
0x2e0: {  	[tilespmem:s17+$0x0] =	vst v1  }
0x2e1: {  	s18 =	sadd.s32 s22, s16;
	[tilespmem:s17+$0x10] =	vst v2  }
0x2e2: {  	s18 =	sshrl.u32 s18, $0x3;
	[tilespmem:s17+$0x20] =	vst v0  }
0x2e3: {  	s19 =	sadd.s32 s3, s18;
	[tilespmem:s17+$0xFFFFFFC0] =	vst v3  }
0x2e4: {  	[hbm4b:s19+s29] =	stream.strided.scatter [tilespmem:s31], [sflag:$0x6], $0x400, s30, s29, $0x38;
	[tilespmem:$0x1FF00] =	vst v63  }
0x2e5: {  	_ =	swait.ge [sflag:s13], $0x400  }
0x2e6: {  	[sflag:s13] =	ssyncset.done $0x0  }
0x2e7: {  	s20 =	simm.s32 $0x1C770;
	[sflag:s13] =	ssyncadd.s32 $0xFFFFFC00  }
0x2e8: {  	v0 =	vld [tilespmem:s20+$0x0]  }
0x2e9: {  	v1 =	vld [tilespmem:s20+$0xFFFFFFA0]  }
0x2ea: {  	v2 =	vld [tilespmem:s20+$0xFFFFFFB0]  }
0x2eb: {  	v3 =	vld [tilespmem:s20+$0xFFFFFFC0]  }
0x2ec: {  	v6 =	vld [tilespmem:s20+$0xFFFFFFD0]  }
0x2ed: {  	v7 =	vld [tilespmem:s20+$0xFFFFFFE0]  }
0x2ee: {  	v8 =	vld [tilespmem:s20+$0xFFFFFFF0]  }
0x2ef: {  	v9 =	vld [tilespmem:s20+$0xFFFFFF90]  }
0x2f0: {  	v10 =	vld.idx.msk [tilespmem:v0+s5+$0x0], $0xffff  }
0x2f1: {  	v11 =	vld.idx.msk [tilespmem:v1+s5+$0x0], $0xffff  }
0x2f2: {  	v5 =	vld.idx.msk [tilespmem:v2+s5+$0x0], $0xffff  }
0x2f3: {  	v4 =	vld.idx.msk [tilespmem:v3+s5+$0x0], $0xffff  }
0x2f4: {  	v1 =	vld.idx.msk [tilespmem:v6+s5+$0x0], $0xffff  }
0x2f5: {  	s17 =	simm.s32 $0x1F740;
	v2 =	vld.idx.msk [tilespmem:v7+s5+$0x0], $0xffff  }
0x2f6: {  	v0 =	vld.idx.msk [tilespmem:v8+s5+$0x0], $0xffff;
	[tilespmem:s17+$0x30] =	vst v10  }
0x2f7: {  	s18 =	simm.s32 $0x0;
	s19 =	simm.s32 $0x1CB70;
	v3 =	vld.idx.msk [tilespmem:v9+s5+$0x0], $0xffff;
	[tilespmem:s17+$0xFFFFFFD0] =	vst v11  }
.LBB2_35:
0x2f8: {  	v6 =	vld [tilespmem:s19+$0x0];
	s18 =	sadd.s32 $0x8, s18;
	[tilespmem:s17+$0xFFFFFFE0] =	vst v5  }
0x2f9: {  	v5 =	vld [tilespmem:s19+$0xFFFFFFA0];
	p0 =	slt.u32 s18, $0x38;
	[tilespmem:s17+$0xFFFFFFF0] =	vst v4  }
0x2fa: {  	v4 =	vld [tilespmem:s19+$0xFFFFFFB0];
	[tilespmem:s17+$0x0] =	vst v1  }
0x2fb: {  	v1 =	vld [tilespmem:s19+$0xFFFFFFC0];
	[tilespmem:s17+$0x10] =	vst v2  }
0x2fc: {  	v2 =	vld [tilespmem:s19+$0xFFFFFFD0];
	[tilespmem:s17+$0x20] =	vst v0  }
0x2fd: {  	v0 =	vld [tilespmem:s19+$0xFFFFFFE0];
	[tilespmem:s17+$0xFFFFFFC0] =	vst v3  }
0x2fe: {  	v3 =	vld [tilespmem:s19+$0xFFFFFFF0]  }
0x2ff: {  	v7 =	vld [tilespmem:s19+$0xFFFFFF90]  }
0x300: {  	v6 =	vld.idx.msk [tilespmem:v6+s5+$0x0], $0xffff  }
0x301: {  	v8 =	vld.idx.msk [tilespmem:v5+s5+$0x0], $0xffff  }
0x302: {  	v5 =	vld.idx.msk [tilespmem:v4+s5+$0x0], $0xffff  }
.Ltmp16:
0x303: {  	v4 =	vld.idx.msk [tilespmem:v1+s5+$0x0], $0xffff;
	(pc) =	sbr.rel @p0 .LBB2_35-.Ltmp16, $4  }
0x304: {  	v1 =	vld.idx.msk [tilespmem:v2+s5+$0x0], $0xffff  }
0x305: {  	s17 =	sadd.s32 $0x80, s17;
	v2 =	vld.idx.msk [tilespmem:v0+s5+$0x0], $0xffff  }
0x306: {  	v0 =	vld.idx.msk [tilespmem:v3+s5+$0x0], $0xffff;
	[tilespmem:s17+$0x30] =	vst v6  }
0x307: {  	s19 =	sadd.s32 $0x400, s19;
	v3 =	vld.idx.msk [tilespmem:v7+s5+$0x0], $0xffff;
	[tilespmem:s17+$0xFFFFFFD0] =	vst v8  }
0x308: {  	[tilespmem:s17+$0xFFFFFFE0] =	vst v5  }
0x309: {  	[tilespmem:s17+$0xFFFFFFF0] =	vst v4  }
0x30a: {  	[tilespmem:s17+$0x0] =	vst v1  }
0x30b: {  	s18 =	sadd.s32 s23, s16;
	[tilespmem:s17+$0x10] =	vst v2  }
0x30c: {  	s18 =	sshrl.u32 s18, $0x3;
	[tilespmem:s17+$0x20] =	vst v0  }
0x30d: {  	s19 =	sadd.s32 s3, s18;
	[tilespmem:s17+$0xFFFFFFC0] =	vst v3  }
0x30e: {  	[hbm4b:s19+s29] =	stream.strided.scatter [tilespmem:s6], [sflag:$0x7], $0x400, s30, s29, $0x38;
	[tilespmem:$0x1FF00] =	vst v63  }
0x30f: {  	_ =	swait.ge [sflag:s14], $0x400  }
0x310: {  	[sflag:s14] =	ssyncset.done $0x0  }
0x311: {  	s20 =	simm.s32 $0x1C7F0;
	[sflag:s14] =	ssyncadd.s32 $0xFFFFFC00  }
0x312: {  	v0 =	vld [tilespmem:s20+$0x0]  }
0x313: {  	v1 =	vld [tilespmem:s20+$0xFFFFFFA0]  }
0x314: {  	v2 =	vld [tilespmem:s20+$0xFFFFFFB0]  }
0x315: {  	v3 =	vld [tilespmem:s20+$0xFFFFFFC0]  }
0x316: {  	v6 =	vld [tilespmem:s20+$0xFFFFFFD0]  }
0x317: {  	v7 =	vld [tilespmem:s20+$0xFFFFFFE0]  }
0x318: {  	v8 =	vld [tilespmem:s20+$0xFFFFFFF0]  }
0x319: {  	v9 =	vld [tilespmem:s20+$0xFFFFFF90]  }
0x31a: {  	v10 =	vld.idx.msk [tilespmem:v0+s5+$0x0], $0xffff  }
0x31b: {  	v11 =	vld.idx.msk [tilespmem:v1+s5+$0x0], $0xffff  }
0x31c: {  	v5 =	vld.idx.msk [tilespmem:v2+s5+$0x0], $0xffff  }
0x31d: {  	v4 =	vld.idx.msk [tilespmem:v3+s5+$0x0], $0xffff  }
0x31e: {  	v1 =	vld.idx.msk [tilespmem:v6+s5+$0x0], $0xffff  }
0x31f: {  	s17 =	simm.s32 $0x1FB40;
	v2 =	vld.idx.msk [tilespmem:v7+s5+$0x0], $0xffff  }
0x320: {  	v0 =	vld.idx.msk [tilespmem:v8+s5+$0x0], $0xffff;
	[tilespmem:s17+$0x30] =	vst v10  }
0x321: {  	s18 =	simm.s32 $0x0;
	s19 =	simm.s32 $0x1CBF0;
	v3 =	vld.idx.msk [tilespmem:v9+s5+$0x0], $0xffff;
	[tilespmem:s17+$0xFFFFFFD0] =	vst v11  }
.LBB2_37:
0x322: {  	v6 =	vld [tilespmem:s19+$0x0];
	s18 =	sadd.s32 $0x8, s18;
	[tilespmem:s17+$0xFFFFFFE0] =	vst v5  }
0x323: {  	v5 =	vld [tilespmem:s19+$0xFFFFFFA0];
	p0 =	slt.u32 s18, $0x38;
	[tilespmem:s17+$0xFFFFFFF0] =	vst v4  }
0x324: {  	v4 =	vld [tilespmem:s19+$0xFFFFFFB0];
	[tilespmem:s17+$0x0] =	vst v1  }
0x325: {  	v1 =	vld [tilespmem:s19+$0xFFFFFFC0];
	[tilespmem:s17+$0x10] =	vst v2  }
0x326: {  	v2 =	vld [tilespmem:s19+$0xFFFFFFD0];
	[tilespmem:s17+$0x20] =	vst v0  }
0x327: {  	v0 =	vld [tilespmem:s19+$0xFFFFFFE0];
	[tilespmem:s17+$0xFFFFFFC0] =	vst v3  }
0x328: {  	v3 =	vld [tilespmem:s19+$0xFFFFFFF0]  }
0x329: {  	v7 =	vld [tilespmem:s19+$0xFFFFFF90]  }
0x32a: {  	v6 =	vld.idx.msk [tilespmem:v6+s5+$0x0], $0xffff  }
0x32b: {  	v8 =	vld.idx.msk [tilespmem:v5+s5+$0x0], $0xffff  }
0x32c: {  	v5 =	vld.idx.msk [tilespmem:v4+s5+$0x0], $0xffff  }
.Ltmp17:
0x32d: {  	v4 =	vld.idx.msk [tilespmem:v1+s5+$0x0], $0xffff;
	(pc) =	sbr.rel @p0 .LBB2_37-.Ltmp17, $4  }
0x32e: {  	v1 =	vld.idx.msk [tilespmem:v2+s5+$0x0], $0xffff  }
0x32f: {  	s17 =	sadd.s32 $0x80, s17;
	v2 =	vld.idx.msk [tilespmem:v0+s5+$0x0], $0xffff  }
0x330: {  	v0 =	vld.idx.msk [tilespmem:v3+s5+$0x0], $0xffff;
	[tilespmem:s17+$0x30] =	vst v6  }
0x331: {  	s19 =	sadd.s32 $0x400, s19;
	v3 =	vld.idx.msk [tilespmem:v7+s5+$0x0], $0xffff;
	[tilespmem:s17+$0xFFFFFFD0] =	vst v8  }
0x332: {  	[tilespmem:s17+$0xFFFFFFE0] =	vst v5  }
0x333: {  	[tilespmem:s17+$0xFFFFFFF0] =	vst v4  }
0x334: {  	[tilespmem:s17+$0x0] =	vst v1  }
0x335: {  	s18 =	sadd.s32 s24, s16;
	[tilespmem:s17+$0x10] =	vst v2  }
0x336: {  	s18 =	sshrl.u32 s18, $0x3;
	[tilespmem:s17+$0x20] =	vst v0  }
0x337: {  	s19 =	sadd.s32 s3, s18;
	[tilespmem:s17+$0xFFFFFFC0] =	vst v3  }
0x338: {  	[hbm4b:s19+s29] =	stream.strided.scatter [tilespmem:s8], [sflag:$0x8], $0x400, s30, s29, $0x38;
	[tilespmem:$0x1FF00] =	vst v63  }
0x339: {  	_ =	swait.ge [sflag:s9], $0x400  }
0x33a: {  	[sflag:s9] =	ssyncset.done $0x0  }
0x33b: {  	s20 =	simm.s32 $0x1C870;
	[sflag:s9] =	ssyncadd.s32 $0xFFFFFC00  }
0x33c: {  	v0 =	vld [tilespmem:s20+$0x0]  }
0x33d: {  	v1 =	vld [tilespmem:s20+$0xFFFFFFA0]  }
0x33e: {  	v2 =	vld [tilespmem:s20+$0xFFFFFFB0]  }
0x33f: {  	v3 =	vld [tilespmem:s20+$0xFFFFFFC0]  }
0x340: {  	v6 =	vld [tilespmem:s20+$0xFFFFFFD0]  }
0x341: {  	v7 =	vld [tilespmem:s20+$0xFFFFFFE0]  }
0x342: {  	v8 =	vld [tilespmem:s20+$0xFFFFFFF0]  }
0x343: {  	v9 =	vld [tilespmem:s20+$0xFFFFFF90]  }
0x344: {  	v10 =	vld.idx.msk [tilespmem:v0+s5+$0x0], $0xffff  }
0x345: {  	v11 =	vld.idx.msk [tilespmem:v1+s5+$0x0], $0xffff  }
0x346: {  	v5 =	vld.idx.msk [tilespmem:v2+s5+$0x0], $0xffff  }
0x347: {  	v4 =	vld.idx.msk [tilespmem:v3+s5+$0x0], $0xffff  }
0x348: {  	v1 =	vld.idx.msk [tilespmem:v6+s5+$0x0], $0xffff  }
0x349: {  	s17 =	simm.s32 $0x1E740;
	v2 =	vld.idx.msk [tilespmem:v7+s5+$0x0], $0xffff  }
0x34a: {  	v0 =	vld.idx.msk [tilespmem:v8+s5+$0x0], $0xffff;
	[tilespmem:s17+$0x30] =	vst v10  }
0x34b: {  	s18 =	simm.s32 $0x0;
	s19 =	simm.s32 $0x1CC70;
	v3 =	vld.idx.msk [tilespmem:v9+s5+$0x0], $0xffff;
	[tilespmem:s17+$0xFFFFFFD0] =	vst v11  }
.LBB2_39:
0x34c: {  	v6 =	vld [tilespmem:s19+$0x0];
	s18 =	sadd.s32 $0x8, s18;
	[tilespmem:s17+$0xFFFFFFE0] =	vst v5  }
0x34d: {  	v5 =	vld [tilespmem:s19+$0xFFFFFFA0];
	p0 =	slt.u32 s18, $0x38;
	[tilespmem:s17+$0xFFFFFFF0] =	vst v4  }
0x34e: {  	v4 =	vld [tilespmem:s19+$0xFFFFFFB0];
	[tilespmem:s17+$0x0] =	vst v1  }
0x34f: {  	v1 =	vld [tilespmem:s19+$0xFFFFFFC0];
	[tilespmem:s17+$0x10] =	vst v2  }
0x350: {  	v2 =	vld [tilespmem:s19+$0xFFFFFFD0];
	[tilespmem:s17+$0x20] =	vst v0  }
0x351: {  	v0 =	vld [tilespmem:s19+$0xFFFFFFE0];
	[tilespmem:s17+$0xFFFFFFC0] =	vst v3  }
0x352: {  	v3 =	vld [tilespmem:s19+$0xFFFFFFF0]  }
0x353: {  	v7 =	vld [tilespmem:s19+$0xFFFFFF90]  }
0x354: {  	v6 =	vld.idx.msk [tilespmem:v6+s5+$0x0], $0xffff  }
0x355: {  	v8 =	vld.idx.msk [tilespmem:v5+s5+$0x0], $0xffff  }
0x356: {  	v5 =	vld.idx.msk [tilespmem:v4+s5+$0x0], $0xffff  }
.Ltmp18:
0x357: {  	v4 =	vld.idx.msk [tilespmem:v1+s5+$0x0], $0xffff;
	(pc) =	sbr.rel @p0 .LBB2_39-.Ltmp18, $4  }
0x358: {  	v1 =	vld.idx.msk [tilespmem:v2+s5+$0x0], $0xffff  }
0x359: {  	s17 =	sadd.s32 $0x80, s17;
	v2 =	vld.idx.msk [tilespmem:v0+s5+$0x0], $0xffff  }
0x35a: {  	v0 =	vld.idx.msk [tilespmem:v3+s5+$0x0], $0xffff;
	[tilespmem:s17+$0x30] =	vst v6  }
0x35b: {  	s19 =	sadd.s32 $0x400, s19;
	v3 =	vld.idx.msk [tilespmem:v7+s5+$0x0], $0xffff;
	[tilespmem:s17+$0xFFFFFFD0] =	vst v8  }
0x35c: {  	[tilespmem:s17+$0xFFFFFFE0] =	vst v5  }
0x35d: {  	[tilespmem:s17+$0xFFFFFFF0] =	vst v4  }
0x35e: {  	[tilespmem:s17+$0x0] =	vst v1  }
0x35f: {  	s18 =	sadd.s32 s26, s16;
	[tilespmem:s17+$0x10] =	vst v2  }
0x360: {  	s18 =	sshrl.u32 s18, $0x3;
	[tilespmem:s17+$0x20] =	vst v0  }
0x361: {  	s19 =	sadd.s32 s3, s18;
	[tilespmem:s17+$0xFFFFFFC0] =	vst v3  }
0x362: {  	[hbm4b:s19+s29] =	stream.strided.scatter [tilespmem:s25], [sflag:$0x3], $0x400, s30, s29, $0x38;
	[tilespmem:$0x1FF00] =	vst v63  }
0x363: {  	_ =	swait.ge [sflag:s10], $0x400  }
0x364: {  	[sflag:s10] =	ssyncset.done $0x0  }
0x365: {  	s20 =	simm.s32 $0x1C8F0;
	[sflag:s10] =	ssyncadd.s32 $0xFFFFFC00  }
0x366: {  	v0 =	vld [tilespmem:s20+$0x0]  }
0x367: {  	v1 =	vld [tilespmem:s20+$0xFFFFFFA0]  }
0x368: {  	v2 =	vld [tilespmem:s20+$0xFFFFFFB0]  }
0x369: {  	v3 =	vld [tilespmem:s20+$0xFFFFFFC0]  }
0x36a: {  	v6 =	vld [tilespmem:s20+$0xFFFFFFD0]  }
0x36b: {  	v7 =	vld [tilespmem:s20+$0xFFFFFFE0]  }
0x36c: {  	v8 =	vld [tilespmem:s20+$0xFFFFFFF0]  }
0x36d: {  	v9 =	vld [tilespmem:s20+$0xFFFFFF90]  }
0x36e: {  	v10 =	vld.idx.msk [tilespmem:v0+s5+$0x0], $0xffff  }
0x36f: {  	v11 =	vld.idx.msk [tilespmem:v1+s5+$0x0], $0xffff  }
0x370: {  	v5 =	vld.idx.msk [tilespmem:v2+s5+$0x0], $0xffff  }
0x371: {  	v4 =	vld.idx.msk [tilespmem:v3+s5+$0x0], $0xffff  }
0x372: {  	v1 =	vld.idx.msk [tilespmem:v6+s5+$0x0], $0xffff  }
0x373: {  	s17 =	simm.s32 $0x1EB40;
	v2 =	vld.idx.msk [tilespmem:v7+s5+$0x0], $0xffff  }
0x374: {  	v0 =	vld.idx.msk [tilespmem:v8+s5+$0x0], $0xffff;
	[tilespmem:s17+$0x30] =	vst v10  }
0x375: {  	s18 =	simm.s32 $0x0;
	s19 =	simm.s32 $0x1CCF0;
	v3 =	vld.idx.msk [tilespmem:v9+s5+$0x0], $0xffff;
	[tilespmem:s17+$0xFFFFFFD0] =	vst v11  }
.LBB2_41:
0x376: {  	v6 =	vld [tilespmem:s19+$0x0];
	s18 =	sadd.s32 $0x8, s18;
	[tilespmem:s17+$0xFFFFFFE0] =	vst v5  }
0x377: {  	v5 =	vld [tilespmem:s19+$0xFFFFFFA0];
	p0 =	slt.u32 s18, $0x38;
	[tilespmem:s17+$0xFFFFFFF0] =	vst v4  }
0x378: {  	v4 =	vld [tilespmem:s19+$0xFFFFFFB0];
	[tilespmem:s17+$0x0] =	vst v1  }
0x379: {  	v1 =	vld [tilespmem:s19+$0xFFFFFFC0];
	[tilespmem:s17+$0x10] =	vst v2  }
0x37a: {  	v2 =	vld [tilespmem:s19+$0xFFFFFFD0];
	[tilespmem:s17+$0x20] =	vst v0  }
0x37b: {  	v0 =	vld [tilespmem:s19+$0xFFFFFFE0];
	[tilespmem:s17+$0xFFFFFFC0] =	vst v3  }
0x37c: {  	v3 =	vld [tilespmem:s19+$0xFFFFFFF0]  }
0x37d: {  	v7 =	vld [tilespmem:s19+$0xFFFFFF90]  }
0x37e: {  	v6 =	vld.idx.msk [tilespmem:v6+s5+$0x0], $0xffff  }
0x37f: {  	v8 =	vld.idx.msk [tilespmem:v5+s5+$0x0], $0xffff  }
0x380: {  	v5 =	vld.idx.msk [tilespmem:v4+s5+$0x0], $0xffff  }
.Ltmp19:
0x381: {  	v4 =	vld.idx.msk [tilespmem:v1+s5+$0x0], $0xffff;
	(pc) =	sbr.rel @p0 .LBB2_41-.Ltmp19, $4  }
0x382: {  	v1 =	vld.idx.msk [tilespmem:v2+s5+$0x0], $0xffff  }
0x383: {  	s17 =	sadd.s32 $0x80, s17;
	v2 =	vld.idx.msk [tilespmem:v0+s5+$0x0], $0xffff  }
0x384: {  	v0 =	vld.idx.msk [tilespmem:v3+s5+$0x0], $0xffff;
	[tilespmem:s17+$0x30] =	vst v6  }
0x385: {  	s19 =	sadd.s32 $0x400, s19;
	v3 =	vld.idx.msk [tilespmem:v7+s5+$0x0], $0xffff;
	[tilespmem:s17+$0xFFFFFFD0] =	vst v8  }
0x386: {  	[tilespmem:s17+$0xFFFFFFE0] =	vst v5;
	s15 =	sadd.s32 $0x1, s15  }
0x387: {  	[tilespmem:s17+$0xFFFFFFF0] =	vst v4;
	p0 =	sne.s32 s15, $0x1A  }
.Ltmp20:
0x388: {  	[tilespmem:s17+$0x0] =	vst v1;
	(pc) =	sbr.rel @p0 .LBB2_2-.Ltmp20, $4  }
0x389: {  	s16 =	sadd.s32 s28, s16;
	[tilespmem:s17+$0x10] =	vst v2  }
0x38a: {  	s16 =	sshrl.u32 s16, $0x3;
	[tilespmem:s17+$0x20] =	vst v0  }
0x38b: {  	s16 =	sadd.s32 s3, s16;
	[tilespmem:s17+$0xFFFFFFC0] =	vst v3  }
0x38c: {  	[hbm4b:s16+s29] =	stream.strided.scatter [tilespmem:s1], [sflag:$0x4], $0x400, s30, s29, $0x38;
	[tilespmem:$0x1FF00] =	vst v63  }
0x38d: {  	_ =	swait.ge [sflag:s9], $0x400  }
0x38e: {  	[sflag:s9] =	ssyncset.done $0x0  }
0x38f: {  	[sflag:s9] =	ssyncadd.s32 $0xFFFFFC00  }
0x390: {  	_ =	swait.ge [sflag:s10], $0x400  }
0x391: {  	[sflag:s10] =	ssyncset.done $0x0  }
0x392: {  	[sflag:s10] =	ssyncadd.s32 $0xFFFFFC00  }
0x393: {  	_ =	swait.ge [sflag:s11], $0x400  }
0x394: {  	[sflag:s11] =	ssyncset.done $0x0  }
0x395: {  	[sflag:s11] =	ssyncadd.s32 $0xFFFFFC00  }
0x396: {  	_ =	swait.ge [sflag:s12], $0x400  }
0x397: {  	[sflag:s12] =	ssyncset.done $0x0  }
0x398: {  	[sflag:s12] =	ssyncadd.s32 $0xFFFFFC00  }
0x399: {  	_ =	swait.ge [sflag:s13], $0x400  }
0x39a: {  	[sflag:s13] =	ssyncset.done $0x0  }
0x39b: {  	[sflag:s13] =	ssyncadd.s32 $0xFFFFFC00  }
0x39c: {  	_ =	swait.ge [sflag:s14], $0x400  }
0x39d: {  	s16 =	rddreg [dreg:$0x13]  }
0x39e: {  	s15 =	rddreg [dreg:$0x12];
	s16 =	sadd.s32 $0x1, s16  }
0x39f: {  	p0 =	sne.s32 s16, s15  }
.Ltmp21:
0x3a0: {  	_ = 	snop;
	(pc) =	sbr.rel @p0 .LBB2_1-.Ltmp21, $3  }
0x3a1: {  	_ =	sdelay $0x1  }
0x3a2: {  	[sflag:s14] =	ssyncset.done $0x0  }
0x3a3: {  	[sflag:s14] =	ssyncadd.s32 $0xFFFFFC00  }
0x3a4: {  	_ =	sfence.sel $0x180000  }
0x3a5: {  	[bflag:$0x0] =	sbarrier.arrive $0xFFFF  }
0x3a6: {  	_ =	strace $0x90000047  }
0x3a7: {  	s0 =	stileid.u32;
	[bflag:$0x2] =	sbarrier.arrive $0xFFFF  }
0x3a8: {  	p0 =	sne.s32 s0, $0x0;
	s0 =	rddreg [dreg:$0x3]  }
0x3a9: {  	s0 =	sadd.s32 @!p0 $0x100000, s0  }
0x3aa: {  	[sflag:s0] =	ssyncadd.tile.s32 @!p0 $0x1;
	_ =	shalt  }
.Lfunc_end2:
_tile_overlayer_lowered:
.L_overlay_start_2:
0x3ab: {  	(tag) =	ssettag $0x2  }
0x3ac: {  	s0 =	rddreg [dreg:$0x0];
	s2 =	stileid.u32  }
0x3ad: {  	s1 =	rddreg [dreg:$0x1];
	p0 =	sne.s32 s2, $0x0  }
0x3ae: {  	s3 =	rddreg [dreg:$0x2];
	[bflag:$0x3] =	sbarrier.arrive $0xFFFF;
	s2 =	simm.s32 @!p0 $0x1C09  }
0x3af: {  	[timem:s3], [sflag:s2] =	dma.local @!p0 [hbm:s0], s1  }
0x3b0: {  	s0 =	simm.s32 @!p0 $0x9  }
0x3b1: {  	_ =	swait.ge @!p0 [sflag:s0], s1  }
0x3b2: {  	s1 =	ssub.s32 @!p0 $0x0, s1;
	[sflag:s0] =	ssyncset.done @!p0 $0x0  }
0x3b3: {  	[sflag:s0] =	ssyncadd.s32 @!p0 s1  }
0x3b4: {  	[bflag:$0x3] =	sbarrier.arrive $0xFFFF  }
0x3b5: {  	_ =	shalt  }

</sc_bundles>
